<compile_context>
chip_gen: v7x
topology: tpu7x:2x2x1
jax: 0.10.2.dev20260603
libtpu: 0.0.44.dev20260713+nightly
codegen_flags: <defaults>
</compile_context>

<pallas_src>
import functools

import jax
import jax.numpy as jnp
from jax import lax
from jax.experimental import pallas as pl
from jax.experimental.pallas import tpu as pltpu
from jax.experimental.pallas import tpu_sc as plsc


def _tc_block(gu_ref, gi_ref, xui_ref, gu_out_ref):
    u = gu_ref[:, :]
    v = gi_ref[:, :]
    gu_out_ref[:, :] = u
    xui_ref[:] = jnp.sum(u * v, axis=1)


def _make_tc_body(B, D, blk):
    def tc_body(gu_hbm, gi_hbm, xui_hbm, gu_out_hbm):
        pltpu.emit_pipeline(
            _tc_block,
            grid=(B // blk,),
            in_specs=[
                pl.BlockSpec((blk, D), lambda i: (i, 0)),
                pl.BlockSpec((blk, D), lambda i: (i, 0)),
            ],
            out_specs=[
                pl.BlockSpec((blk,), lambda i: (i,)),
                pl.BlockSpec((blk, D), lambda i: (i, 0)),
            ],
        )(gu_hbm, gi_hbm, xui_hbm, gu_out_hbm)

    return tc_body


def _make_sc_copy(B, D):
    mesh = plsc.VectorSubcoreMesh(core_axis_name="c", subcore_axis_name="s")
    n_workers = mesh.num_cores * mesh.num_subcores
    rows = B // n_workers
    n_chunks = 4
    crows = rows // n_chunks

    @functools.partial(
        pl.kernel,
        mesh=mesh,
        out_type=jax.ShapeDtypeStruct((B, D), jnp.float32),
        scratch_types=(
            [pltpu.VMEM((crows, D), jnp.float32) for _ in range(n_chunks)]
            + [pltpu.SemaphoreType.DMA for _ in range(2 * n_chunks)]
        ),
    )
    def sc_copy(src_hbm, dst_hbm, *scratch):
        bufs = scratch[:n_chunks]
        sems_in = scratch[n_chunks:2 * n_chunks]
        sems_out = scratch[2 * n_chunks:]
        wid = lax.axis_index("s") * mesh.num_cores + lax.axis_index("c")
        base = wid * rows
        h_in = [
            pltpu.async_copy(src_hbm.at[pl.ds(base + k * crows, crows)],
                             bufs[k], sems_in[k])
            for k in range(n_chunks)
        ]
        h_out = []
        for k in range(n_chunks):
            h_in[k].wait()
            h_out.append(
                pltpu.async_copy(bufs[k],
                                 dst_hbm.at[pl.ds(base + k * crows, crows)],
                                 sems_out[k]))
        for k in range(n_chunks):
            h_out[k].wait()

    return sc_copy


def kernel(gu, gi):
    B, D = gu.shape
    blk = 2048
    gu = pltpu.with_memory_space_constraint(gu, pltpu.MemorySpace.HBM)
    gi = pltpu.with_memory_space_constraint(gi, pltpu.MemorySpace.HBM)
    xui, gu_o = pl.pallas_call(
        _make_tc_body(B, D, blk),
        in_specs=[
            pl.BlockSpec(memory_space=pltpu.MemorySpace.HBM),
            pl.BlockSpec(memory_space=pltpu.MemorySpace.HBM),
        ],
        out_specs=[
            pl.BlockSpec(memory_space=pltpu.MemorySpace.HBM),
            pl.BlockSpec(memory_space=pltpu.MemorySpace.HBM),
        ],
        out_shape=[
            jax.ShapeDtypeStruct((B,), jnp.float32),
            jax.ShapeDtypeStruct((B, D), jnp.float32),
        ],
    )(gu, gi)
    gi_o = _make_sc_copy(B, D)(gi)
    return (xui, gu_o, gi_o)

# --- scband reference (transcript-rebuilt; emitter-appended) ---
"""Pipeline reference for scband-grcnmodel-71038759076271 (READ-ONLY COPY).

The authoritative reference and input builder live on the scoring server;
editing this copy changes nothing except your own understanding.
"""

import jax, jax.numpy as jnp
import numpy as np

B = 16384
D = 128

def setup_inputs(seed: int = 0) -> dict:
    key = jax.random.key(seed)
    k1, k2 = jax.random.split(key)
    gu = jax.random.normal(k1, (B, D), dtype=jnp.float32)
    gi = jax.random.normal(k2, (B, D), dtype=jnp.float32)
    return {"gu": gu, "gi": gi}

def reference(gu, gi):
    # GRCNModel.forward: inputs = (gu, gi)
    gamma_u = jnp.squeeze(gu)
    gamma_i = jnp.squeeze(gi)
    xui = jnp.sum(gamma_u * gamma_i, axis=1)
    return (xui, gamma_u, gamma_i)

if __name__ == "__main__":
    import jax
    _d = setup_inputs()
    print(jax.jit(kernel)(*tuple(_d.values())))

</pallas_src>

<mosaic_0001>
#map = affine_map<(d0, d1) -> (0, 0)>
module attributes {stable_mosaic.version = 14 : i64} {
  func.func @sc_copy(%arg0: i32, %arg1: i32, %arg2: memref<16384x128xf32, #tpu.memory_space<hbm>>, %arg3: memref<16384x128xf32, #tpu.memory_space<hbm>>, %arg4: memref<128x128xf32, #tpu.memory_space<vmem>>, %arg5: memref<128x128xf32, #tpu.memory_space<vmem>>, %arg6: memref<128x128xf32, #tpu.memory_space<vmem>>, %arg7: memref<128x128xf32, #tpu.memory_space<vmem>>, %arg8: memref<!tpu.dma_semaphore, #tpu.memory_space<semaphore_mem>>, %arg9: memref<!tpu.dma_semaphore, #tpu.memory_space<semaphore_mem>>, %arg10: memref<!tpu.dma_semaphore, #tpu.memory_space<semaphore_mem>>, %arg11: memref<!tpu.dma_semaphore, #tpu.memory_space<semaphore_mem>>, %arg12: memref<!tpu.dma_semaphore, #tpu.memory_space<semaphore_mem>>, %arg13: memref<!tpu.dma_semaphore, #tpu.memory_space<semaphore_mem>>, %arg14: memref<!tpu.dma_semaphore, #tpu.memory_space<semaphore_mem>>, %arg15: memref<!tpu.dma_semaphore, #tpu.memory_space<semaphore_mem>>) attributes {dimension_semantics = [#tpu.dimension_semantics<core_parallel>, #tpu.dimension_semantics<subcore_parallel>], iteration_bounds = array<i64: 2, 16>, scalar_prefetch = 0 : i64, scratch_operands = 12 : i64, tpu.core_type = #tpu.core_type<sc_vector_subcore>, window_params = [{transform_indices = #map}, {transform_indices = #map}]} {
    %mul3A = arith.constant 2 : i32
    %mul3A_0 = arith.muli %arg1, %mul3A : i32
    %add3A = arith.addi %mul3A_0, %arg0 : i32
    %mul3A_1 = arith.constant 512 : i32
    %mul3A_2 = arith.muli %add3A, %mul3A_1 : i32
    %add3A_3 = arith.constant 0 : i32
    %add3A_4 = arith.addi %mul3A_2, %add3A_3 : i32
    %dma_start3A = arith.constant 0 : i32
    %dma_start3A_5 = tpu.memref_slice %arg2[%add3A_4, %dma_start3A] : memref<16384x128xf32, #tpu.memory_space<hbm>> -> memref<128x128xf32, #tpu.memory_space<hbm>>
    %dma_start3A_6 = arith.constant 0 : i32
    %dma_start3A_7 = tpu.memref_slice %arg2[%add3A_4, %dma_start3A_6] : memref<16384x128xf32, #tpu.memory_space<hbm>> -> memref<128x128xf32, #tpu.memory_space<hbm>>
    tpu.enqueue_dma source(%dma_start3A_7 : memref<128x128xf32, #tpu.memory_space<hbm>>) target(%arg4 : memref<128x128xf32, #tpu.memory_space<vmem>>) target_semaphore(%arg8 : memref<!tpu.dma_semaphore, #tpu.memory_space<semaphore_mem>>)
    %add3A_8 = arith.constant 128 : i32
    %add3A_9 = arith.addi %mul3A_2, %add3A_8 : i32
    %dma_start3A_10 = arith.constant 0 : i32
    %dma_start3A_11 = tpu.memref_slice %arg2[%add3A_9, %dma_start3A_10] : memref<16384x128xf32, #tpu.memory_space<hbm>> -> memref<128x128xf32, #tpu.memory_space<hbm>>
    %dma_start3A_12 = arith.constant 0 : i32
    %dma_start3A_13 = tpu.memref_slice %arg2[%add3A_9, %dma_start3A_12] : memref<16384x128xf32, #tpu.memory_space<hbm>> -> memref<128x128xf32, #tpu.memory_space<hbm>>
    tpu.enqueue_dma source(%dma_start3A_13 : memref<128x128xf32, #tpu.memory_space<hbm>>) target(%arg5 : memref<128x128xf32, #tpu.memory_space<vmem>>) target_semaphore(%arg9 : memref<!tpu.dma_semaphore, #tpu.memory_space<semaphore_mem>>)
    %add3A_14 = arith.constant 256 : i32
    %add3A_15 = arith.addi %mul3A_2, %add3A_14 : i32
    %dma_start3A_16 = arith.constant 0 : i32
    %dma_start3A_17 = tpu.memref_slice %arg2[%add3A_15, %dma_start3A_16] : memref<16384x128xf32, #tpu.memory_space<hbm>> -> memref<128x128xf32, #tpu.memory_space<hbm>>
    %dma_start3A_18 = arith.constant 0 : i32
    %dma_start3A_19 = tpu.memref_slice %arg2[%add3A_15, %dma_start3A_18] : memref<16384x128xf32, #tpu.memory_space<hbm>> -> memref<128x128xf32, #tpu.memory_space<hbm>>
    tpu.enqueue_dma source(%dma_start3A_19 : memref<128x128xf32, #tpu.memory_space<hbm>>) target(%arg6 : memref<128x128xf32, #tpu.memory_space<vmem>>) target_semaphore(%arg10 : memref<!tpu.dma_semaphore, #tpu.memory_space<semaphore_mem>>)
    %add3A_20 = arith.constant 384 : i32
    %add3A_21 = arith.addi %mul3A_2, %add3A_20 : i32
    %dma_start3A_22 = arith.constant 0 : i32
    %dma_start3A_23 = tpu.memref_slice %arg2[%add3A_21, %dma_start3A_22] : memref<16384x128xf32, #tpu.memory_space<hbm>> -> memref<128x128xf32, #tpu.memory_space<hbm>>
    %dma_start3A_24 = arith.constant 0 : i32
    %dma_start3A_25 = tpu.memref_slice %arg2[%add3A_21, %dma_start3A_24] : memref<16384x128xf32, #tpu.memory_space<hbm>> -> memref<128x128xf32, #tpu.memory_space<hbm>>
    tpu.enqueue_dma source(%dma_start3A_25 : memref<128x128xf32, #tpu.memory_space<hbm>>) target(%arg7 : memref<128x128xf32, #tpu.memory_space<vmem>>) target_semaphore(%arg11 : memref<!tpu.dma_semaphore, #tpu.memory_space<semaphore_mem>>)
    %dma_wait3A = arith.constant 0 : i32
    %dma_wait3A_26 = tpu.memref_slice %arg2[%add3A_4, %dma_wait3A] : memref<16384x128xf32, #tpu.memory_space<hbm>> -> memref<128x128xf32, #tpu.memory_space<hbm>>
    %dma_wait3A_27 = arith.constant 0 : i32
    %dma_wait3A_28 = tpu.memref_slice %arg2[%add3A_4, %dma_wait3A_27] : memref<16384x128xf32, #tpu.memory_space<hbm>> -> memref<128x128xf32, #tpu.memory_space<hbm>>
    tpu.wait_dma2 semaphore(%arg8 : memref<!tpu.dma_semaphore, #tpu.memory_space<semaphore_mem>>) src(%dma_wait3A_28 : memref<128x128xf32, #tpu.memory_space<hbm>>) dst(%arg4 : memref<128x128xf32, #tpu.memory_space<vmem>>)
    %add3A_29 = arith.constant 0 : i32
    %add3A_30 = arith.addi %mul3A_2, %add3A_29 : i32
    %dma_start3A_31 = arith.constant 0 : i32
    %dma_start3A_32 = tpu.memref_slice %arg3[%add3A_30, %dma_start3A_31] : memref<16384x128xf32, #tpu.memory_space<hbm>> -> memref<128x128xf32, #tpu.memory_space<hbm>>
    %dma_start3A_33 = arith.constant 0 : i32
    %dma_start3A_34 = tpu.memref_slice %arg3[%add3A_30, %dma_start3A_33] : memref<16384x128xf32, #tpu.memory_space<hbm>> -> memref<128x128xf32, #tpu.memory_space<hbm>>
    tpu.enqueue_dma source(%arg4 : memref<128x128xf32, #tpu.memory_space<vmem>>) target(%dma_start3A_34 : memref<128x128xf32, #tpu.memory_space<hbm>>) target_semaphore(%arg12 : memref<!tpu.dma_semaphore, #tpu.memory_space<semaphore_mem>>)
    %dma_wait3A_35 = arith.constant 0 : i32
    %dma_wait3A_36 = tpu.memref_slice %arg2[%add3A_9, %dma_wait3A_35] : memref<16384x128xf32, #tpu.memory_space<hbm>> -> memref<128x128xf32, #tpu.memory_space<hbm>>
    %dma_wait3A_37 = arith.constant 0 : i32
    %dma_wait3A_38 = tpu.memref_slice %arg2[%add3A_9, %dma_wait3A_37] : memref<16384x128xf32, #tpu.memory_space<hbm>> -> memref<128x128xf32, #tpu.memory_space<hbm>>
    tpu.wait_dma2 semaphore(%arg9 : memref<!tpu.dma_semaphore, #tpu.memory_space<semaphore_mem>>) src(%dma_wait3A_38 : memref<128x128xf32, #tpu.memory_space<hbm>>) dst(%arg5 : memref<128x128xf32, #tpu.memory_space<vmem>>)
    %add3A_39 = arith.constant 128 : i32
    %add3A_40 = arith.addi %mul3A_2, %add3A_39 : i32
    %dma_start3A_41 = arith.constant 0 : i32
    %dma_start3A_42 = tpu.memref_slice %arg3[%add3A_40, %dma_start3A_41] : memref<16384x128xf32, #tpu.memory_space<hbm>> -> memref<128x128xf32, #tpu.memory_space<hbm>>
    %dma_start3A_43 = arith.constant 0 : i32
    %dma_start3A_44 = tpu.memref_slice %arg3[%add3A_40, %dma_start3A_43] : memref<16384x128xf32, #tpu.memory_space<hbm>> -> memref<128x128xf32, #tpu.memory_space<hbm>>
    tpu.enqueue_dma source(%arg5 : memref<128x128xf32, #tpu.memory_space<vmem>>) target(%dma_start3A_44 : memref<128x128xf32, #tpu.memory_space<hbm>>) target_semaphore(%arg13 : memref<!tpu.dma_semaphore, #tpu.memory_space<semaphore_mem>>)
    %dma_wait3A_45 = arith.constant 0 : i32
    %dma_wait3A_46 = tpu.memref_slice %arg2[%add3A_15, %dma_wait3A_45] : memref<16384x128xf32, #tpu.memory_space<hbm>> -> memref<128x128xf32, #tpu.memory_space<hbm>>
    %dma_wait3A_47 = arith.constant 0 : i32
    %dma_wait3A_48 = tpu.memref_slice %arg2[%add3A_15, %dma_wait3A_47] : memref<16384x128xf32, #tpu.memory_space<hbm>> -> memref<128x128xf32, #tpu.memory_space<hbm>>
    tpu.wait_dma2 semaphore(%arg10 : memref<!tpu.dma_semaphore, #tpu.memory_space<semaphore_mem>>) src(%dma_wait3A_48 : memref<128x128xf32, #tpu.memory_space<hbm>>) dst(%arg6 : memref<128x128xf32, #tpu.memory_space<vmem>>)
    %add3A_49 = arith.constant 256 : i32
    %add3A_50 = arith.addi %mul3A_2, %add3A_49 : i32
    %dma_start3A_51 = arith.constant 0 : i32
    %dma_start3A_52 = tpu.memref_slice %arg3[%add3A_50, %dma_start3A_51] : memref<16384x128xf32, #tpu.memory_space<hbm>> -> memref<128x128xf32, #tpu.memory_space<hbm>>
    %dma_start3A_53 = arith.constant 0 : i32
    %dma_start3A_54 = tpu.memref_slice %arg3[%add3A_50, %dma_start3A_53] : memref<16384x128xf32, #tpu.memory_space<hbm>> -> memref<128x128xf32, #tpu.memory_space<hbm>>
    tpu.enqueue_dma source(%arg6 : memref<128x128xf32, #tpu.memory_space<vmem>>) target(%dma_start3A_54 : memref<128x128xf32, #tpu.memory_space<hbm>>) target_semaphore(%arg14 : memref<!tpu.dma_semaphore, #tpu.memory_space<semaphore_mem>>)
    %dma_wait3A_55 = arith.constant 0 : i32
    %dma_wait3A_56 = tpu.memref_slice %arg2[%add3A_21, %dma_wait3A_55] : memref<16384x128xf32, #tpu.memory_space<hbm>> -> memref<128x128xf32, #tpu.memory_space<hbm>>
    %dma_wait3A_57 = arith.constant 0 : i32
    %dma_wait3A_58 = tpu.memref_slice %arg2[%add3A_21, %dma_wait3A_57] : memref<16384x128xf32, #tpu.memory_space<hbm>> -> memref<128x128xf32, #tpu.memory_space<hbm>>
    tpu.wait_dma2 semaphore(%arg11 : memref<!tpu.dma_semaphore, #tpu.memory_space<semaphore_mem>>) src(%dma_wait3A_58 : memref<128x128xf32, #tpu.memory_space<hbm>>) dst(%arg7 : memref<128x128xf32, #tpu.memory_space<vmem>>)
    %add3A_59 = arith.constant 384 : i32
    %add3A_60 = arith.addi %mul3A_2, %add3A_59 : i32
    %dma_start3A_61 = arith.constant 0 : i32
    %dma_start3A_62 = tpu.memref_slice %arg3[%add3A_60, %dma_start3A_61] : memref<16384x128xf32, #tpu.memory_space<hbm>> -> memref<128x128xf32, #tpu.memory_space<hbm>>
    %dma_start3A_63 = arith.constant 0 : i32
    %dma_start3A_64 = tpu.memref_slice %arg3[%add3A_60, %dma_start3A_63] : memref<16384x128xf32, #tpu.memory_space<hbm>> -> memref<128x128xf32, #tpu.memory_space<hbm>>
    tpu.enqueue_dma source(%arg7 : memref<128x128xf32, #tpu.memory_space<vmem>>) target(%dma_start3A_64 : memref<128x128xf32, #tpu.memory_space<hbm>>) target_semaphore(%arg15 : memref<!tpu.dma_semaphore, #tpu.memory_space<semaphore_mem>>)
    %dma_wait3A_65 = arith.constant 0 : i32
    %dma_wait3A_66 = tpu.memref_slice %arg3[%add3A_30, %dma_wait3A_65] : memref<16384x128xf32, #tpu.memory_space<hbm>> -> memref<128x128xf32, #tpu.memory_space<hbm>>
    %dma_wait3A_67 = arith.constant 0 : i32
    %dma_wait3A_68 = tpu.memref_slice %arg3[%add3A_30, %dma_wait3A_67] : memref<16384x128xf32, #tpu.memory_space<hbm>> -> memref<128x128xf32, #tpu.memory_space<hbm>>
    tpu.wait_dma2 semaphore(%arg12 : memref<!tpu.dma_semaphore, #tpu.memory_space<semaphore_mem>>) src(%arg4 : memref<128x128xf32, #tpu.memory_space<vmem>>) dst(%dma_wait3A_68 : memref<128x128xf32, #tpu.memory_space<hbm>>)
    %dma_wait3A_69 = arith.constant 0 : i32
    %dma_wait3A_70 = tpu.memref_slice %arg3[%add3A_40, %dma_wait3A_69] : memref<16384x128xf32, #tpu.memory_space<hbm>> -> memref<128x128xf32, #tpu.memory_space<hbm>>
    %dma_wait3A_71 = arith.constant 0 : i32
    %dma_wait3A_72 = tpu.memref_slice %arg3[%add3A_40, %dma_wait3A_71] : memref<16384x128xf32, #tpu.memory_space<hbm>> -> memref<128x128xf32, #tpu.memory_space<hbm>>
    tpu.wait_dma2 semaphore(%arg13 : memref<!tpu.dma_semaphore, #tpu.memory_space<semaphore_mem>>) src(%arg5 : memref<128x128xf32, #tpu.memory_space<vmem>>) dst(%dma_wait3A_72 : memref<128x128xf32, #tpu.memory_space<hbm>>)
    %dma_wait3A_73 = arith.constant 0 : i32
    %dma_wait3A_74 = tpu.memref_slice %arg3[%add3A_50, %dma_wait3A_73] : memref<16384x128xf32, #tpu.memory_space<hbm>> -> memref<128x128xf32, #tpu.memory_space<hbm>>
    %dma_wait3A_75 = arith.constant 0 : i32
    %dma_wait3A_76 = tpu.memref_slice %arg3[%add3A_50, %dma_wait3A_75] : memref<16384x128xf32, #tpu.memory_space<hbm>> -> memref<128x128xf32, #tpu.memory_space<hbm>>
    tpu.wait_dma2 semaphore(%arg14 : memref<!tpu.dma_semaphore, #tpu.memory_space<semaphore_mem>>) src(%arg6 : memref<128x128xf32, #tpu.memory_space<vmem>>) dst(%dma_wait3A_76 : memref<128x128xf32, #tpu.memory_space<hbm>>)
    %dma_wait3A_77 = arith.constant 0 : i32
    %dma_wait3A_78 = tpu.memref_slice %arg3[%add3A_60, %dma_wait3A_77] : memref<16384x128xf32, #tpu.memory_space<hbm>> -> memref<128x128xf32, #tpu.memory_space<hbm>>
    %dma_wait3A_79 = arith.constant 0 : i32
    %dma_wait3A_80 = tpu.memref_slice %arg3[%add3A_60, %dma_wait3A_79] : memref<16384x128xf32, #tpu.memory_space<hbm>> -> memref<128x128xf32, #tpu.memory_space<hbm>>
    tpu.wait_dma2 semaphore(%arg15 : memref<!tpu.dma_semaphore, #tpu.memory_space<semaphore_mem>>) src(%arg7 : memref<128x128xf32, #tpu.memory_space<vmem>>) dst(%dma_wait3A_80 : memref<128x128xf32, #tpu.memory_space<hbm>>)
    return
  }
}

module attributes {stable_mosaic.version = 14 : i64} {
  func.func @tc_body(%arg0: memref<16384x128xf32, #tpu.memory_space<hbm>>, %arg1: memref<16384x128xf32, #tpu.memory_space<hbm>>, %arg2: memref<16384xf32, #tpu.memory_space<hbm>>, %arg3: memref<16384x128xf32, #tpu.memory_space<hbm>>) attributes {dimension_semantics = [], scalar_prefetch = 0 : i64, scratch_operands = 0 : i64, tpu.core_type = #tpu.core_type<tc>} {
    "tpu.region"() ({
      %run_scoped3A = memref.alloca() : memref<2x2048x128xf32, #tpu.memory_space<vmem>>
      %run_scoped3A_0 = tpu.sem_alloc : memref<2x!tpu.dma_semaphore, #tpu.memory_space<semaphore_mem>>
      %run_scoped3A_1 = memref.alloca() : memref<2x2048x128xf32, #tpu.memory_space<vmem>>
      %run_scoped3A_2 = tpu.sem_alloc : memref<2x!tpu.dma_semaphore, #tpu.memory_space<semaphore_mem>>
      %run_scoped3A_3 = memref.alloca() : memref<4096xf32, #tpu.memory_space<vmem>>
      %run_scoped3A_4 = tpu.sem_alloc : memref<2x!tpu.dma_semaphore, #tpu.memory_space<semaphore_mem>>
      %run_scoped3A_5 = memref.alloca() : memref<2x2048x128xf32, #tpu.memory_space<vmem>>
      %run_scoped3A_6 = tpu.sem_alloc : memref<2x!tpu.dma_semaphore, #tpu.memory_space<semaphore_mem>>
      %select_n3A = arith.constant true
      %select_n3A_7 = arith.constant 0 : i32
      %select_n3A_8 = arith.constant -1 : i32
      %select_n3A_9 = arith.select %select_n3A, %select_n3A_8, %select_n3A_7 : i32
      %eq3A = arith.constant -1 : i32
      %eq3A_10 = arith.cmpi eq, %select_n3A_9, %eq3A : i32
      %select_n3A_11 = arith.constant 7 : i32
      %select_n3A_12 = arith.select %eq3A_10, %select_n3A_11, %select_n3A_9 : i32
      %add3A = arith.constant 0 : i32
      %add3A_13 = arith.addi %select_n3A_12, %add3A : i32
      %select_n3A_14 = arith.constant true
      %select_n3A_15 = arith.constant 0 : i32
      %select_n3A_16 = arith.constant 1 : i32
      %select_n3A_17 = arith.select %select_n3A_14, %select_n3A_16, %select_n3A_15 : i32
      %eq3A_18 = arith.constant 8 : i32
      %eq3A_19 = arith.cmpi eq, %select_n3A_17, %eq3A_18 : i32
      %select_n3A_20 = arith.constant 0 : i32
      %select_n3A_21 = arith.select %eq3A_19, %select_n3A_20, %select_n3A_17 : i32
      %add3A_22 = arith.constant 0 : i32
      %add3A_23 = arith.addi %select_n3A_21, %add3A_22 : i32
      %add3A_24 = arith.constant 1 : i32
      %add3A_25 = arith.addi %select_n3A_21, %add3A_24 : i32
      %select_n3A_26 = arith.constant true
      %select_n3A_27 = arith.select %select_n3A_26, %add3A_25, %select_n3A_21 : i32
      %eq3A_28 = arith.constant 8 : i32
      %eq3A_29 = arith.cmpi eq, %select_n3A_27, %eq3A_28 : i32
      %select_n3A_30 = arith.constant 0 : i32
      %select_n3A_31 = arith.select %eq3A_29, %select_n3A_30, %select_n3A_27 : i32
      %add3A_32 = arith.constant 0 : i32
      %add3A_33 = arith.addi %select_n3A_31, %add3A_32 : i32
      "tpu.trace_start"() <{level = 10 : i32, message = "ep_initialize_0"}> : () -> ()
      %rem3A = arith.constant 0 : i32
      %rem3A_34 = arith.constant 2 : i32
      %rem3A_35 = arith.remui %rem3A, %rem3A_34 : i32
      %dma_start3A = tpu.memref_slice %run_scoped3A_0[%rem3A_35] : memref<2x!tpu.dma_semaphore, #tpu.memory_space<semaphore_mem>> -> memref<1x!tpu.dma_semaphore, #tpu.memory_space<semaphore_mem>>
      %dma_start3A_36 = tpu.memref_squeeze %dma_start3A : memref<1x!tpu.dma_semaphore, #tpu.memory_space<semaphore_mem>> -> memref<!tpu.dma_semaphore, #tpu.memory_space<semaphore_mem>>
      %dma_start3A_37 = arith.constant 0 : i32
      %dma_start3A_38 = arith.constant 0 : i32
      %dma_start3A_39 = tpu.memref_slice %run_scoped3A[%rem3A_35, %dma_start3A_37, %dma_start3A_38] : memref<2x2048x128xf32, #tpu.memory_space<vmem>> -> memref<1x2048x128xf32, #tpu.memory_space<vmem>>
      %dma_start3A_40 = tpu.memref_squeeze %dma_start3A_39 : memref<1x2048x128xf32, #tpu.memory_space<vmem>> -> memref<2048x128xf32, #tpu.memory_space<vmem>>
      %dma_start3A_41 = arith.constant 0 : i32
      %dma_start3A_42 = arith.constant 0 : i32
      %dma_start3A_43 = tpu.memref_slice %arg0[%dma_start3A_41, %dma_start3A_42] : memref<16384x128xf32, #tpu.memory_space<hbm>> -> memref<2048x128xf32, #tpu.memory_space<hbm>>
      tpu.enqueue_dma source(%dma_start3A_43 : memref<2048x128xf32, #tpu.memory_space<hbm>>) target(%dma_start3A_40 : memref<2048x128xf32, #tpu.memory_space<vmem>>) target_semaphore(%dma_start3A_36 : memref<!tpu.dma_semaphore, #tpu.memory_space<semaphore_mem>>)
      %add3A_44 = arith.constant 0 : i32
      %add3A_45 = arith.constant 1 : i32
      %add3A_46 = arith.addi %add3A_44, %add3A_45 : i32
      %select_n3A_47 = arith.constant true
      %select_n3A_48 = arith.constant 0 : i32
      %select_n3A_49 = arith.select %select_n3A_47, %add3A_46, %select_n3A_48 : i32
      %rem3A_50 = arith.constant 0 : i32
      %rem3A_51 = arith.constant 2 : i32
      %rem3A_52 = arith.remui %rem3A_50, %rem3A_51 : i32
      %dma_start3A_53 = tpu.memref_slice %run_scoped3A_2[%rem3A_52] : memref<2x!tpu.dma_semaphore, #tpu.memory_space<semaphore_mem>> -> memref<1x!tpu.dma_semaphore, #tpu.memory_space<semaphore_mem>>
      %dma_start3A_54 = tpu.memref_squeeze %dma_start3A_53 : memref<1x!tpu.dma_semaphore, #tpu.memory_space<semaphore_mem>> -> memref<!tpu.dma_semaphore, #tpu.memory_space<semaphore_mem>>
      %dma_start3A_55 = arith.constant 0 : i32
      %dma_start3A_56 = arith.constant 0 : i32
      %dma_start3A_57 = tpu.memref_slice %run_scoped3A_1[%rem3A_52, %dma_start3A_55, %dma_start3A_56] : memref<2x2048x128xf32, #tpu.memory_space<vmem>> -> memref<1x2048x128xf32, #tpu.memory_space<vmem>>
      %dma_start3A_58 = tpu.memref_squeeze %dma_start3A_57 : memref<1x2048x128xf32, #tpu.memory_space<vmem>> -> memref<2048x128xf32, #tpu.memory_space<vmem>>
      %dma_start3A_59 = arith.constant 0 : i32
      %dma_start3A_60 = arith.constant 0 : i32
      %dma_start3A_61 = tpu.memref_slice %arg1[%dma_start3A_59, %dma_start3A_60] : memref<16384x128xf32, #tpu.memory_space<hbm>> -> memref<2048x128xf32, #tpu.memory_space<hbm>>
      tpu.enqueue_dma source(%dma_start3A_61 : memref<2048x128xf32, #tpu.memory_space<hbm>>) target(%dma_start3A_58 : memref<2048x128xf32, #tpu.memory_space<vmem>>) target_semaphore(%dma_start3A_54 : memref<!tpu.dma_semaphore, #tpu.memory_space<semaphore_mem>>)
      %add3A_62 = arith.constant 0 : i32
      %add3A_63 = arith.constant 1 : i32
      %add3A_64 = arith.addi %add3A_62, %add3A_63 : i32
      %select_n3A_65 = arith.constant true
      %select_n3A_66 = arith.constant 0 : i32
      %select_n3A_67 = arith.select %select_n3A_65, %add3A_64, %select_n3A_66 : i32
      "tpu.trace_stop"() : () -> ()
      %scan3A = arith.constant 0 : i32
      %scan3A_68 = arith.constant 0 : i32
      %scan3A_69 = arith.constant 0 : i32
      %scan3A_70 = arith.constant 0 : i32
      %scan3A_71 = arith.constant 0 : i32
      %scan3A_72 = arith.constant 0 : i32
      %scan3A_73 = arith.constant 0 : i32
      %scan3A_74 = arith.constant 0 : i32
      %scan3A_75 = arith.constant 8 : i32
      %scan3A_76 = arith.addi %scan3A_74, %scan3A_75 : i32
      %scan3A_77 = arith.constant 1 : i32
      %scan3A_78:9 = scf.for %scan3A_141 = %scan3A_74 to %scan3A_76 step %scan3A_77 iter_args(%scan3A_142 = %select_n3A_49, %scan3A_143 = %scan3A, %scan3A_144 = %select_n3A_67, %scan3A_145 = %scan3A_68, %scan3A_146 = %scan3A_69, %scan3A_147 = %scan3A_70, %scan3A_148 = %scan3A_71, %scan3A_149 = %scan3A_72, %scan3A_150 = %scan3A_73) -> (i32, i32, i32, i32, i32, i32, i32, i32, i32)  : i32 {
        %eq3A_151 = arith.constant 0 : i32
        %eq3A_152 = arith.cmpi eq, %scan3A_141, %eq3A_151 : i32
        %eq3A_153 = arith.constant 7 : i32
        %eq3A_154 = arith.cmpi eq, %scan3A_141, %eq3A_153 : i32
        %add3A_155 = arith.constant 0 : i32
        %add3A_156 = arith.addi %scan3A_150, %add3A_155 : i32
        %sub3A_157 = arith.constant 1 : i32
        %sub3A_158 = arith.subi %scan3A_150, %sub3A_157 : i32
        %select_n3A_159 = arith.constant true
        %select_n3A_160 = arith.select %select_n3A_159, %sub3A_158, %scan3A_150 : i32
        %eq3A_161 = arith.constant -1 : i32
        %eq3A_162 = arith.cmpi eq, %select_n3A_160, %eq3A_161 : i32
        %select_n3A_163 = arith.constant 7 : i32
        %select_n3A_164 = arith.select %eq3A_162, %select_n3A_163, %select_n3A_160 : i32
        %add3A_165 = arith.constant 0 : i32
        %add3A_166 = arith.addi %select_n3A_164, %add3A_165 : i32
        %add3A_167 = arith.constant 1 : i32
        %add3A_168 = arith.addi %scan3A_150, %add3A_167 : i32
        %select_n3A_169 = arith.constant true
        %select_n3A_170 = arith.select %select_n3A_169, %add3A_168, %scan3A_150 : i32
        %eq3A_171 = arith.constant 8 : i32
        %eq3A_172 = arith.cmpi eq, %select_n3A_170, %eq3A_171 : i32
        %select_n3A_173 = arith.constant 0 : i32
        %select_n3A_174 = arith.select %eq3A_172, %select_n3A_173, %select_n3A_170 : i32
        %add3A_175 = arith.constant 0 : i32
        %add3A_176 = arith.addi %select_n3A_174, %add3A_175 : i32
        %add3A_177 = arith.constant 1 : i32
        %add3A_178 = arith.addi %select_n3A_174, %add3A_177 : i32
        %select_n3A_179 = arith.constant true
        %select_n3A_180 = arith.select %select_n3A_179, %add3A_178, %select_n3A_174 : i32
        %eq3A_181 = arith.constant 8 : i32
        %eq3A_182 = arith.cmpi eq, %select_n3A_180, %eq3A_181 : i32
        %select_n3A_183 = arith.constant 0 : i32
        %select_n3A_184 = arith.select %eq3A_182, %select_n3A_183, %select_n3A_180 : i32
        %add3A_185 = arith.constant 0 : i32
        %add3A_186 = arith.addi %select_n3A_184, %add3A_185 : i32
        %ne3A = arith.cmpi ne, %add3A_156, %add3A_176 : i32
        %or3A = arith.constant false
        %or3A_187 = arith.ori %or3A, %ne3A : i1
        %or3A_188 = arith.constant false
        %or3A_189 = arith.ori %or3A_187, %or3A_188 : i1
        %ge3A = arith.constant 7 : i32
        %ge3A_190 = arith.cmpi sge, %scan3A_141, %ge3A : i32
        %not3A = arith.constant true
        %not3A_191 = arith.xori %ge3A_190, %not3A : i1
        %and3A = arith.andi %or3A_189, %not3A_191 : i1
        %convert_element_type3A = arith.extui %and3A : i1 to i32
        %cond3A = arith.constant 0 : i32
        %cond3A_192 = arith.cmpi ne, %convert_element_type3A, %cond3A : i32
        scf.if %cond3A_192 {
          "tpu.trace_start"() <{level = 10 : i32, message = "ep_copy_in"}> : () -> ()
          %rem3A_432 = arith.constant 2 : i32
          %rem3A_433 = arith.remui %scan3A_142, %rem3A_432 : i32
          %mul3A_434 = arith.constant 2048 : i32
          %mul3A_435 = arith.muli %mul3A_434, %add3A_176 : i32
          %dma_start3A_436 = tpu.memref_slice %run_scoped3A_0[%rem3A_433] : memref<2x!tpu.dma_semaphore, #tpu.memory_space<semaphore_mem>> -> memref<1x!tpu.dma_semaphore, #tpu.memory_space<semaphore_mem>>
          %dma_start3A_437 = tpu.memref_squeeze %dma_start3A_436 : memref<1x!tpu.dma_semaphore, #tpu.memory_space<semaphore_mem>> -> memref<!tpu.dma_semaphore, #tpu.memory_space<semaphore_mem>>
          %dma_start3A_438 = arith.constant 0 : i32
          %dma_start3A_439 = arith.constant 0 : i32
          %dma_start3A_440 = tpu.memref_slice %run_scoped3A[%rem3A_433, %dma_start3A_438, %dma_start3A_439] : memref<2x2048x128xf32, #tpu.memory_space<vmem>> -> memref<1x2048x128xf32, #tpu.memory_space<vmem>>
          %dma_start3A_441 = tpu.memref_squeeze %dma_start3A_440 : memref<1x2048x128xf32, #tpu.memory_space<vmem>> -> memref<2048x128xf32, #tpu.memory_space<vmem>>
          %dma_start3A_442 = arith.constant 0 : i32
          %dma_start3A_443 = tpu.memref_slice %arg0[%mul3A_435, %dma_start3A_442] : memref<16384x128xf32, #tpu.memory_space<hbm>> -> memref<2048x128xf32, #tpu.memory_space<hbm>>
          tpu.enqueue_dma source(%dma_start3A_443 : memref<2048x128xf32, #tpu.memory_space<hbm>>) target(%dma_start3A_441 : memref<2048x128xf32, #tpu.memory_space<vmem>>) target_semaphore(%dma_start3A_437 : memref<!tpu.dma_semaphore, #tpu.memory_space<semaphore_mem>>)
          "tpu.trace_stop"() : () -> ()
        } else {
        }
        %and3A_193 = arith.constant true
        %and3A_194 = arith.andi %and3A, %and3A_193 : i1
        %add3A_195 = arith.constant 1 : i32
        %add3A_196 = arith.addi %scan3A_142, %add3A_195 : i32
        %select_n3A_197 = arith.select %and3A_194, %add3A_196, %scan3A_142 : i32
        %ne3A_198 = arith.cmpi ne, %add3A_156, %add3A_176 : i32
        %or3A_199 = arith.constant false
        %or3A_200 = arith.ori %or3A_199, %ne3A_198 : i1
        %or3A_201 = arith.constant false
        %or3A_202 = arith.ori %or3A_200, %or3A_201 : i1
        %ge3A_203 = arith.constant 7 : i32
        %ge3A_204 = arith.cmpi sge, %scan3A_141, %ge3A_203 : i32
        %not3A_205 = arith.constant true
        %not3A_206 = arith.xori %ge3A_204, %not3A_205 : i1
        %and3A_207 = arith.andi %or3A_202, %not3A_206 : i1
        %convert_element_type3A_208 = arith.extui %and3A_207 : i1 to i32
        %cond3A_209 = arith.constant 0 : i32
        %cond3A_210 = arith.cmpi ne, %convert_element_type3A_208, %cond3A_209 : i32
        scf.if %cond3A_210 {
          "tpu.trace_start"() <{level = 10 : i32, message = "ep_copy_in"}> : () -> ()
          %rem3A_432 = arith.constant 2 : i32
          %rem3A_433 = arith.remui %scan3A_144, %rem3A_432 : i32
          %mul3A_434 = arith.constant 2048 : i32
          %mul3A_435 = arith.muli %mul3A_434, %add3A_176 : i32
          %dma_start3A_436 = tpu.memref_slice %run_scoped3A_2[%rem3A_433] : memref<2x!tpu.dma_semaphore, #tpu.memory_space<semaphore_mem>> -> memref<1x!tpu.dma_semaphore, #tpu.memory_space<semaphore_mem>>
          %dma_start3A_437 = tpu.memref_squeeze %dma_start3A_436 : memref<1x!tpu.dma_semaphore, #tpu.memory_space<semaphore_mem>> -> memref<!tpu.dma_semaphore, #tpu.memory_space<semaphore_mem>>
          %dma_start3A_438 = arith.constant 0 : i32
          %dma_start3A_439 = arith.constant 0 : i32
          %dma_start3A_440 = tpu.memref_slice %run_scoped3A_1[%rem3A_433, %dma_start3A_438, %dma_start3A_439] : memref<2x2048x128xf32, #tpu.memory_space<vmem>> -> memref<1x2048x128xf32, #tpu.memory_space<vmem>>
          %dma_start3A_441 = tpu.memref_squeeze %dma_start3A_440 : memref<1x2048x128xf32, #tpu.memory_space<vmem>> -> memref<2048x128xf32, #tpu.memory_space<vmem>>
          %dma_start3A_442 = arith.constant 0 : i32
          %dma_start3A_443 = tpu.memref_slice %arg1[%mul3A_435, %dma_start3A_442] : memref<16384x128xf32, #tpu.memory_space<hbm>> -> memref<2048x128xf32, #tpu.memory_space<hbm>>
          tpu.enqueue_dma source(%dma_start3A_443 : memref<2048x128xf32, #tpu.memory_space<hbm>>) target(%dma_start3A_441 : memref<2048x128xf32, #tpu.memory_space<vmem>>) target_semaphore(%dma_start3A_437 : memref<!tpu.dma_semaphore, #tpu.memory_space<semaphore_mem>>)
          "tpu.trace_stop"() : () -> ()
        } else {
        }
        %and3A_211 = arith.constant true
        %and3A_212 = arith.andi %and3A_207, %and3A_211 : i1
        %add3A_213 = arith.constant 1 : i32
        %add3A_214 = arith.addi %scan3A_144, %add3A_213 : i32
        %select_n3A_215 = arith.select %and3A_212, %add3A_214, %scan3A_144 : i32
        %ne3A_216 = arith.cmpi ne, %add3A_156, %add3A_176 : i32
        %or3A_217 = arith.constant false
        %or3A_218 = arith.ori %or3A_217, %ne3A_216 : i1
        %ge3A_219 = arith.constant 7 : i32
        %ge3A_220 = arith.cmpi sge, %scan3A_141, %ge3A_219 : i32
        %not3A_221 = arith.constant true
        %not3A_222 = arith.xori %ge3A_220, %not3A_221 : i1
        %and3A_223 = arith.andi %or3A_218, %not3A_222 : i1
        %ne3A_224 = arith.cmpi ne, %add3A_156, %add3A_176 : i32
        %or3A_225 = arith.constant false
        %or3A_226 = arith.ori %or3A_225, %ne3A_224 : i1
        %or3A_227 = arith.constant false
        %or3A_228 = arith.ori %or3A_226, %or3A_227 : i1
        %ge3A_229 = arith.constant 7 : i32
        %ge3A_230 = arith.cmpi sge, %scan3A_141, %ge3A_229 : i32
        %not3A_231 = arith.constant true
        %not3A_232 = arith.xori %ge3A_230, %not3A_231 : i1
        %and3A_233 = arith.andi %or3A_228, %not3A_232 : i1
        %ne3A_234 = arith.cmpi ne, %add3A_156, %add3A_166 : i32
        %or3A_235 = arith.constant false
        %or3A_236 = arith.ori %or3A_235, %ne3A_234 : i1
        %or3A_237 = arith.constant false
        %or3A_238 = arith.ori %or3A_236, %or3A_237 : i1
        %or3A_239 = arith.ori %or3A_238, %eq3A_152 : i1
        %convert_element_type3A_240 = arith.extui %or3A_239 : i1 to i32
        %cond3A_241 = arith.constant 0 : i32
        %cond3A_242 = arith.cmpi ne, %convert_element_type3A_240, %cond3A_241 : i32
        scf.if %cond3A_242 {
          "tpu.trace_start"() <{level = 10 : i32, message = "ep_wait_in"}> : () -> ()
          %mul3A_432 = arith.constant 2048 : i32
          %mul3A_433 = arith.muli %mul3A_432, %add3A_156 : i32
          %rem3A_434 = arith.constant 2 : i32
          %rem3A_435 = arith.remui %scan3A_143, %rem3A_434 : i32
          %dma_wait3A_436 = tpu.memref_slice %run_scoped3A_0[%rem3A_435] : memref<2x!tpu.dma_semaphore, #tpu.memory_space<semaphore_mem>> -> memref<1x!tpu.dma_semaphore, #tpu.memory_space<semaphore_mem>>
          %dma_wait3A_437 = tpu.memref_squeeze %dma_wait3A_436 : memref<1x!tpu.dma_semaphore, #tpu.memory_space<semaphore_mem>> -> memref<!tpu.dma_semaphore, #tpu.memory_space<semaphore_mem>>
          %dma_wait3A_438 = arith.constant 0 : i32
          %dma_wait3A_439 = arith.constant 0 : i32
          %dma_wait3A_440 = tpu.memref_slice %run_scoped3A[%rem3A_435, %dma_wait3A_438, %dma_wait3A_439] : memref<2x2048x128xf32, #tpu.memory_space<vmem>> -> memref<1x2048x128xf32, #tpu.memory_space<vmem>>
          %dma_wait3A_441 = tpu.memref_squeeze %dma_wait3A_440 : memref<1x2048x128xf32, #tpu.memory_space<vmem>> -> memref<2048x128xf32, #tpu.memory_space<vmem>>
          %dma_wait3A_442 = arith.constant 0 : i32
          %dma_wait3A_443 = tpu.memref_slice %arg0[%mul3A_433, %dma_wait3A_442] : memref<16384x128xf32, #tpu.memory_space<hbm>> -> memref<2048x128xf32, #tpu.memory_space<hbm>>
          tpu.wait_dma2 semaphore(%dma_wait3A_437 : memref<!tpu.dma_semaphore, #tpu.memory_space<semaphore_mem>>) src(%dma_wait3A_443 : memref<2048x128xf32, #tpu.memory_space<hbm>>) dst(%dma_wait3A_441 : memref<2048x128xf32, #tpu.memory_space<vmem>>)
          "tpu.trace_stop"() : () -> ()
        } else {
        }
        %ne3A_243 = arith.cmpi ne, %add3A_156, %add3A_166 : i32
        %or3A_244 = arith.constant false
        %or3A_245 = arith.ori %or3A_244, %ne3A_243 : i1
        %or3A_246 = arith.constant false
        %or3A_247 = arith.ori %or3A_245, %or3A_246 : i1
        %or3A_248 = arith.ori %or3A_247, %eq3A_152 : i1
        %convert_element_type3A_249 = arith.extui %or3A_248 : i1 to i32
        %cond3A_250 = arith.constant 0 : i32
        %cond3A_251 = arith.cmpi ne, %convert_element_type3A_249, %cond3A_250 : i32
        scf.if %cond3A_251 {
          "tpu.trace_start"() <{level = 10 : i32, message = "ep_wait_in"}> : () -> ()
          %mul3A_432 = arith.constant 2048 : i32
          %mul3A_433 = arith.muli %mul3A_432, %add3A_156 : i32
          %rem3A_434 = arith.constant 2 : i32
          %rem3A_435 = arith.remui %scan3A_145, %rem3A_434 : i32
          %dma_wait3A_436 = tpu.memref_slice %run_scoped3A_2[%rem3A_435] : memref<2x!tpu.dma_semaphore, #tpu.memory_space<semaphore_mem>> -> memref<1x!tpu.dma_semaphore, #tpu.memory_space<semaphore_mem>>
          %dma_wait3A_437 = tpu.memref_squeeze %dma_wait3A_436 : memref<1x!tpu.dma_semaphore, #tpu.memory_space<semaphore_mem>> -> memref<!tpu.dma_semaphore, #tpu.memory_space<semaphore_mem>>
          %dma_wait3A_438 = arith.constant 0 : i32
          %dma_wait3A_439 = arith.constant 0 : i32
          %dma_wait3A_440 = tpu.memref_slice %run_scoped3A_1[%rem3A_435, %dma_wait3A_438, %dma_wait3A_439] : memref<2x2048x128xf32, #tpu.memory_space<vmem>> -> memref<1x2048x128xf32, #tpu.memory_space<vmem>>
          %dma_wait3A_441 = tpu.memref_squeeze %dma_wait3A_440 : memref<1x2048x128xf32, #tpu.memory_space<vmem>> -> memref<2048x128xf32, #tpu.memory_space<vmem>>
          %dma_wait3A_442 = arith.constant 0 : i32
          %dma_wait3A_443 = tpu.memref_slice %arg1[%mul3A_433, %dma_wait3A_442] : memref<16384x128xf32, #tpu.memory_space<hbm>> -> memref<2048x128xf32, #tpu.memory_space<hbm>>
          tpu.wait_dma2 semaphore(%dma_wait3A_437 : memref<!tpu.dma_semaphore, #tpu.memory_space<semaphore_mem>>) src(%dma_wait3A_443 : memref<2048x128xf32, #tpu.memory_space<hbm>>) dst(%dma_wait3A_441 : memref<2048x128xf32, #tpu.memory_space<vmem>>)
          "tpu.trace_stop"() : () -> ()
        } else {
        }
        %ne3A_252 = arith.cmpi ne, %add3A_156, %add3A_166 : i32
        %or3A_253 = arith.constant false
        %or3A_254 = arith.ori %or3A_253, %ne3A_252 : i1
        %or3A_255 = arith.ori %or3A_254, %eq3A_152 : i1
        %convert_element_type3A_256 = arith.extui %or3A_255 : i1 to i32
        %cond3A_257 = arith.constant 0 : i32
        %cond3A_258 = arith.cmpi ne, %convert_element_type3A_256, %cond3A_257 : i32
        scf.if %cond3A_258 {
        } else {
        }
        %ne3A_259 = arith.cmpi ne, %add3A_156, %add3A_166 : i32
        %or3A_260 = arith.constant false
        %or3A_261 = arith.ori %or3A_260, %ne3A_259 : i1
        %or3A_262 = arith.constant false
        %or3A_263 = arith.ori %or3A_261, %or3A_262 : i1
        %or3A_264 = arith.ori %or3A_263, %eq3A_152 : i1
        %convert_element_type3A_265 = arith.extui %or3A_264 : i1 to i32
        %cond3A_266 = arith.constant 0 : i32
        %cond3A_267 = arith.cmpi ne, %convert_element_type3A_265, %cond3A_266 : i32
        scf.if %cond3A_267 {
        } else {
        }
        %rem3A_268 = arith.constant 2 : i32
        %rem3A_269 = arith.remui %scan3A_143, %rem3A_268 : i32
        %rem3A_270 = arith.constant 2 : i32
        %rem3A_271 = arith.remui %scan3A_145, %rem3A_270 : i32
        %rem3A_272 = arith.constant 2 : i32
        %rem3A_273 = arith.remui %scan3A_146, %rem3A_272 : i32
        %mul3A_274 = arith.constant 2048 : i32
        %mul3A_275 = arith.muli %rem3A_273, %mul3A_274 : i32
        %rem3A_276 = arith.constant 2 : i32
        %rem3A_277 = arith.remui %scan3A_148, %rem3A_276 : i32
        "tpu.trace_start"() <{level = 10 : i32, message = "ep_run_kernel"}> : () -> ()
        %get3A = arith.constant 0 : i32
        %get3A_278 = arith.constant 0 : i32
        %get3A_279 = tpu.memref_slice %run_scoped3A[%rem3A_269, %get3A, %get3A_278] : memref<2x2048x128xf32, #tpu.memory_space<vmem>> -> memref<1x2048x128xf32, #tpu.memory_space<vmem>>
        %get3A_280 = tpu.memref_squeeze %get3A_279 : memref<1x2048x128xf32, #tpu.memory_space<vmem>> -> memref<2048x128xf32, #tpu.memory_space<vmem>>
        %get3A_281 = arith.constant 0 : index
        %get3A_282 = arith.constant 0 : index
        %get3A_283 = vector.load %get3A_280[%get3A_281, %get3A_282] : memref<2048x128xf32, #tpu.memory_space<vmem>>, vector<2048x128xf32>
        %get3A_284 = arith.constant 0 : i32
        %get3A_285 = arith.constant 0 : i32
        %get3A_286 = tpu.memref_slice %run_scoped3A_1[%rem3A_271, %get3A_284, %get3A_285] : memref<2x2048x128xf32, #tpu.memory_space<vmem>> -> memref<1x2048x128xf32, #tpu.memory_space<vmem>>
        %get3A_287 = tpu.memref_squeeze %get3A_286 : memref<1x2048x128xf32, #tpu.memory_space<vmem>> -> memref<2048x128xf32, #tpu.memory_space<vmem>>
        %get3A_288 = arith.constant 0 : index
        %get3A_289 = arith.constant 0 : index
        %get3A_290 = vector.load %get3A_287[%get3A_288, %get3A_289] : memref<2048x128xf32, #tpu.memory_space<vmem>>, vector<2048x128xf32>
        %swap3A = arith.constant 0 : i32
        %swap3A_291 = arith.constant 0 : i32
        %swap3A_292 = tpu.memref_slice %run_scoped3A_5[%rem3A_277, %swap3A, %swap3A_291] : memref<2x2048x128xf32, #tpu.memory_space<vmem>> -> memref<1x2048x128xf32, #tpu.memory_space<vmem>>
        %swap3A_293 = tpu.memref_squeeze %swap3A_292 : memref<1x2048x128xf32, #tpu.memory_space<vmem>> -> memref<2048x128xf32, #tpu.memory_space<vmem>>
        %swap3A_294 = arith.constant 0 : index
        %swap3A_295 = arith.constant 0 : index
        %swap3A_296 = vector.load %swap3A_293[%swap3A_294, %swap3A_295] : memref<2048x128xf32, #tpu.memory_space<vmem>>, vector<2048x128xf32>
        tpu.vector_store %swap3A_293[%swap3A_294, %swap3A_295], %get3A_283 {strides = array<i32>} : memref<2048x128xf32, #tpu.memory_space<vmem>>, vector<2048x128xf32>,
        %mul3A_297 = arith.mulf %get3A_283, %get3A_290 : vector<2048x128xf32>
        %reduce_sum3A = arith.constant dense<0.000000e+00> : vector<2048xf32>
        %reduce_sum3A_298 = vector.multi_reduction <add>, %mul3A_297, %reduce_sum3A [1] : vector<2048x128xf32> to vector<2048xf32>
        %swap3A_299 = tpu.memref_slice %run_scoped3A_3[%mul3A_275] : memref<4096xf32, #tpu.memory_space<vmem>> -> memref<2048xf32, #tpu.memory_space<vmem>>
        %swap3A_300 = arith.constant 0 : index
        %swap3A_301 = vector.load %swap3A_299[%swap3A_300] : memref<2048xf32, #tpu.memory_space<vmem>>, vector<2048xf32>
        tpu.vector_store %swap3A_299[%swap3A_300], %reduce_sum3A_298 {strides = array<i32>} : memref<2048xf32, #tpu.memory_space<vmem>>, vector<2048xf32>,
        "tpu.trace_stop"() : () -> ()
        %ne3A_302 = arith.cmpi ne, %add3A_156, %add3A_176 : i32
        %or3A_303 = arith.constant false
        %or3A_304 = arith.ori %or3A_303, %ne3A_302 : i1
        %or3A_305 = arith.constant false
        %or3A_306 = arith.ori %or3A_304, %or3A_305 : i1
        %or3A_307 = arith.ori %or3A_306, %eq3A_154 : i1
        %convert_element_type3A_308 = arith.extui %or3A_307 : i1 to i32
        %cond3A_309 = arith.constant 0 : i32
        %cond3A_310 = arith.cmpi ne, %convert_element_type3A_308, %cond3A_309 : i32
        scf.if %cond3A_310 {
        } else {
        }
        %and3A_311 = arith.constant false
        %and3A_312 = arith.andi %or3A_307, %and3A_311 : i1
        %ne3A_313 = arith.cmpi ne, %add3A_156, %add3A_176 : i32
        %or3A_314 = arith.constant false
        %or3A_315 = arith.ori %or3A_314, %ne3A_313 : i1
        %or3A_316 = arith.constant false
        %or3A_317 = arith.ori %or3A_315, %or3A_316 : i1
        %or3A_318 = arith.ori %or3A_317, %eq3A_154 : i1
        %convert_element_type3A_319 = arith.extui %or3A_318 : i1 to i32
        %cond3A_320 = arith.constant 0 : i32
        %cond3A_321 = arith.cmpi ne, %convert_element_type3A_319, %cond3A_320 : i32
        scf.if %cond3A_321 {
        } else {
        }
        %and3A_322 = arith.constant false
        %and3A_323 = arith.andi %or3A_318, %and3A_322 : i1
        %ne3A_324 = arith.cmpi ne, %add3A_156, %add3A_176 : i32
        %or3A_325 = arith.constant false
        %or3A_326 = arith.ori %or3A_325, %ne3A_324 : i1
        %or3A_327 = arith.ori %or3A_326, %eq3A_154 : i1
        %convert_element_type3A_328 = arith.extui %or3A_327 : i1 to i32
        %cond3A_329 = arith.constant 0 : i32
        %cond3A_330 = arith.cmpi ne, %convert_element_type3A_328, %cond3A_329 : i32
        scf.if %cond3A_330 {
          "tpu.trace_start"() <{level = 10 : i32, message = "ep_copy_out"}> : () -> ()
          %rem3A_432 = arith.constant 2 : i32
          %rem3A_433 = arith.remui %scan3A_146, %rem3A_432 : i32
          %mul3A_434 = arith.constant 2048 : i32
          %mul3A_435 = arith.muli %mul3A_434, %add3A_156 : i32
          %mul3A_436 = arith.constant 2048 : i32
          %mul3A_437 = arith.muli %rem3A_433, %mul3A_436 : i32
          %add3A_438 = arith.constant 0 : i32
          %add3A_439 = arith.addi %mul3A_437, %add3A_438 : i32
          %dma_start3A_440 = tpu.memref_slice %run_scoped3A_4[%rem3A_433] : memref<2x!tpu.dma_semaphore, #tpu.memory_space<semaphore_mem>> -> memref<1x!tpu.dma_semaphore, #tpu.memory_space<semaphore_mem>>
          %dma_start3A_441 = tpu.memref_squeeze %dma_start3A_440 : memref<1x!tpu.dma_semaphore, #tpu.memory_space<semaphore_mem>> -> memref<!tpu.dma_semaphore, #tpu.memory_space<semaphore_mem>>
          %dma_start3A_442 = tpu.memref_slice %arg2[%mul3A_435] : memref<16384xf32, #tpu.memory_space<hbm>> -> memref<2048xf32, #tpu.memory_space<hbm>>
          %dma_start3A_443 = tpu.memref_slice %run_scoped3A_3[%add3A_439] : memref<4096xf32, #tpu.memory_space<vmem>> -> memref<2048xf32, #tpu.memory_space<vmem>>
          tpu.enqueue_dma source(%dma_start3A_443 : memref<2048xf32, #tpu.memory_space<vmem>>) target(%dma_start3A_442 : memref<2048xf32, #tpu.memory_space<hbm>>) target_semaphore(%dma_start3A_441 : memref<!tpu.dma_semaphore, #tpu.memory_space<semaphore_mem>>)
          "tpu.trace_stop"() : () -> ()
        } else {
        }
        %and3A_331 = arith.constant true
        %and3A_332 = arith.andi %or3A_327, %and3A_331 : i1
        %add3A_333 = arith.constant 1 : i32
        %add3A_334 = arith.addi %scan3A_146, %add3A_333 : i32
        %select_n3A_335 = arith.select %and3A_332, %add3A_334, %scan3A_146 : i32
        %ne3A_336 = arith.cmpi ne, %add3A_156, %add3A_176 : i32
        %or3A_337 = arith.constant false
        %or3A_338 = arith.ori %or3A_337, %ne3A_336 : i1
        %or3A_339 = arith.constant false
        %or3A_340 = arith.ori %or3A_338, %or3A_339 : i1
        %or3A_341 = arith.ori %or3A_340, %eq3A_154 : i1
        %convert_element_type3A_342 = arith.extui %or3A_341 : i1 to i32
        %cond3A_343 = arith.constant 0 : i32
        %cond3A_344 = arith.cmpi ne, %convert_element_type3A_342, %cond3A_343 : i32
        scf.if %cond3A_344 {
          "tpu.trace_start"() <{level = 10 : i32, message = "ep_copy_out"}> : () -> ()
          %rem3A_432 = arith.constant 2 : i32
          %rem3A_433 = arith.remui %scan3A_148, %rem3A_432 : i32
          %mul3A_434 = arith.constant 2048 : i32
          %mul3A_435 = arith.muli %mul3A_434, %add3A_156 : i32
          %dma_start3A_436 = tpu.memref_slice %run_scoped3A_6[%rem3A_433] : memref<2x!tpu.dma_semaphore, #tpu.memory_space<semaphore_mem>> -> memref<1x!tpu.dma_semaphore, #tpu.memory_space<semaphore_mem>>
          %dma_start3A_437 = tpu.memref_squeeze %dma_start3A_436 : memref<1x!tpu.dma_semaphore, #tpu.memory_space<semaphore_mem>> -> memref<!tpu.dma_semaphore, #tpu.memory_space<semaphore_mem>>
          %dma_start3A_438 = arith.constant 0 : i32
          %dma_start3A_439 = tpu.memref_slice %arg3[%mul3A_435, %dma_start3A_438] : memref<16384x128xf32, #tpu.memory_space<hbm>> -> memref<2048x128xf32, #tpu.memory_space<hbm>>
          %dma_start3A_440 = arith.constant 0 : i32
          %dma_start3A_441 = arith.constant 0 : i32
          %dma_start3A_442 = tpu.memref_slice %run_scoped3A_5[%rem3A_433, %dma_start3A_440, %dma_start3A_441] : memref<2x2048x128xf32, #tpu.memory_space<vmem>> -> memref<1x2048x128xf32, #tpu.memory_space<vmem>>
          %dma_start3A_443 = tpu.memref_squeeze %dma_start3A_442 : memref<1x2048x128xf32, #tpu.memory_space<vmem>> -> memref<2048x128xf32, #tpu.memory_space<vmem>>
          tpu.enqueue_dma source(%dma_start3A_443 : memref<2048x128xf32, #tpu.memory_space<vmem>>) target(%dma_start3A_439 : memref<2048x128xf32, #tpu.memory_space<hbm>>) target_semaphore(%dma_start3A_437 : memref<!tpu.dma_semaphore, #tpu.memory_space<semaphore_mem>>)
          "tpu.trace_stop"() : () -> ()
        } else {
        }
        %and3A_345 = arith.constant true
        %and3A_346 = arith.andi %or3A_341, %and3A_345 : i1
        %add3A_347 = arith.constant 1 : i32
        %add3A_348 = arith.addi %scan3A_148, %add3A_347 : i32
        %select_n3A_349 = arith.select %and3A_346, %add3A_348, %scan3A_148 : i32
        %ne3A_350 = arith.cmpi ne, %add3A_156, %add3A_166 : i32
        %or3A_351 = arith.constant false
        %or3A_352 = arith.ori %or3A_351, %ne3A_350 : i1
        %or3A_353 = arith.constant false
        %or3A_354 = arith.ori %or3A_352, %or3A_353 : i1
        %not3A_355 = arith.constant true
        %not3A_356 = arith.xori %eq3A_152, %not3A_355 : i1
        %and3A_357 = arith.andi %or3A_354, %not3A_356 : i1
        %convert_element_type3A_358 = arith.extui %and3A_357 : i1 to i32
        %cond3A_359 = arith.constant 0 : i32
        %cond3A_360 = arith.cmpi ne, %convert_element_type3A_358, %cond3A_359 : i32
        scf.if %cond3A_360 {
        } else {
        }
        %and3A_361 = arith.constant false
        %and3A_362 = arith.andi %and3A_357, %and3A_361 : i1
        %ne3A_363 = arith.cmpi ne, %add3A_156, %add3A_166 : i32
        %or3A_364 = arith.constant false
        %or3A_365 = arith.ori %or3A_364, %ne3A_363 : i1
        %or3A_366 = arith.constant false
        %or3A_367 = arith.ori %or3A_365, %or3A_366 : i1
        %not3A_368 = arith.constant true
        %not3A_369 = arith.xori %eq3A_152, %not3A_368 : i1
        %and3A_370 = arith.andi %or3A_367, %not3A_369 : i1
        %convert_element_type3A_371 = arith.extui %and3A_370 : i1 to i32
        %cond3A_372 = arith.constant 0 : i32
        %cond3A_373 = arith.cmpi ne, %convert_element_type3A_371, %cond3A_372 : i32
        scf.if %cond3A_373 {
        } else {
        }
        %and3A_374 = arith.constant false
        %and3A_375 = arith.andi %and3A_370, %and3A_374 : i1
        %ne3A_376 = arith.cmpi ne, %add3A_156, %add3A_166 : i32
        %or3A_377 = arith.constant false
        %or3A_378 = arith.ori %or3A_377, %ne3A_376 : i1
        %not3A_379 = arith.constant true
        %not3A_380 = arith.xori %eq3A_152, %not3A_379 : i1
        %and3A_381 = arith.andi %or3A_378, %not3A_380 : i1
        %convert_element_type3A_382 = arith.extui %and3A_381 : i1 to i32
        %cond3A_383 = arith.constant 0 : i32
        %cond3A_384 = arith.cmpi ne, %convert_element_type3A_382, %cond3A_383 : i32
        scf.if %cond3A_384 {
          "tpu.trace_start"() <{level = 10 : i32, message = "ep_wait_out"}> : () -> ()
          %rem3A_432 = arith.constant 2 : i32
          %rem3A_433 = arith.remui %scan3A_147, %rem3A_432 : i32
          %mul3A_434 = arith.constant 2048 : i32
          %mul3A_435 = arith.muli %mul3A_434, %add3A_166 : i32
          %mul3A_436 = arith.constant 2048 : i32
          %mul3A_437 = arith.muli %rem3A_433, %mul3A_436 : i32
          %add3A_438 = arith.constant 0 : i32
          %add3A_439 = arith.addi %mul3A_437, %add3A_438 : i32
          %dma_wait3A_440 = tpu.memref_slice %run_scoped3A_4[%rem3A_433] : memref<2x!tpu.dma_semaphore, #tpu.memory_space<semaphore_mem>> -> memref<1x!tpu.dma_semaphore, #tpu.memory_space<semaphore_mem>>
          %dma_wait3A_441 = tpu.memref_squeeze %dma_wait3A_440 : memref<1x!tpu.dma_semaphore, #tpu.memory_space<semaphore_mem>> -> memref<!tpu.dma_semaphore, #tpu.memory_space<semaphore_mem>>
          %dma_wait3A_442 = tpu.memref_slice %arg2[%mul3A_435] : memref<16384xf32, #tpu.memory_space<hbm>> -> memref<2048xf32, #tpu.memory_space<hbm>>
          %dma_wait3A_443 = tpu.memref_slice %run_scoped3A_3[%add3A_439] : memref<4096xf32, #tpu.memory_space<vmem>> -> memref<2048xf32, #tpu.memory_space<vmem>>
          tpu.wait_dma2 semaphore(%dma_wait3A_441 : memref<!tpu.dma_semaphore, #tpu.memory_space<semaphore_mem>>) src(%dma_wait3A_443 : memref<2048xf32, #tpu.memory_space<vmem>>) dst(%dma_wait3A_442 : memref<2048xf32, #tpu.memory_space<hbm>>)
          "tpu.trace_stop"() : () -> ()
        } else {
        }
        %and3A_385 = arith.constant true
        %and3A_386 = arith.andi %and3A_381, %and3A_385 : i1
        %add3A_387 = arith.constant 1 : i32
        %add3A_388 = arith.addi %scan3A_147, %add3A_387 : i32
        %select_n3A_389 = arith.select %and3A_386, %add3A_388, %scan3A_147 : i32
        %ne3A_390 = arith.cmpi ne, %add3A_156, %add3A_166 : i32
        %or3A_391 = arith.constant false
        %or3A_392 = arith.ori %or3A_391, %ne3A_390 : i1
        %or3A_393 = arith.constant false
        %or3A_394 = arith.ori %or3A_392, %or3A_393 : i1
        %not3A_395 = arith.constant true
        %not3A_396 = arith.xori %eq3A_152, %not3A_395 : i1
        %and3A_397 = arith.andi %or3A_394, %not3A_396 : i1
        %convert_element_type3A_398 = arith.extui %and3A_397 : i1 to i32
        %cond3A_399 = arith.constant 0 : i32
        %cond3A_400 = arith.cmpi ne, %convert_element_type3A_398, %cond3A_399 : i32
        scf.if %cond3A_400 {
          "tpu.trace_start"() <{level = 10 : i32, message = "ep_wait_out"}> : () -> ()
          %rem3A_432 = arith.constant 2 : i32
          %rem3A_433 = arith.remui %scan3A_149, %rem3A_432 : i32
          %mul3A_434 = arith.constant 2048 : i32
          %mul3A_435 = arith.muli %mul3A_434, %add3A_166 : i32
          %dma_wait3A_436 = tpu.memref_slice %run_scoped3A_6[%rem3A_433] : memref<2x!tpu.dma_semaphore, #tpu.memory_space<semaphore_mem>> -> memref<1x!tpu.dma_semaphore, #tpu.memory_space<semaphore_mem>>
          %dma_wait3A_437 = tpu.memref_squeeze %dma_wait3A_436 : memref<1x!tpu.dma_semaphore, #tpu.memory_space<semaphore_mem>> -> memref<!tpu.dma_semaphore, #tpu.memory_space<semaphore_mem>>
          %dma_wait3A_438 = arith.constant 0 : i32
          %dma_wait3A_439 = tpu.memref_slice %arg3[%mul3A_435, %dma_wait3A_438] : memref<16384x128xf32, #tpu.memory_space<hbm>> -> memref<2048x128xf32, #tpu.memory_space<hbm>>
          %dma_wait3A_440 = arith.constant 0 : i32
          %dma_wait3A_441 = arith.constant 0 : i32
          %dma_wait3A_442 = tpu.memref_slice %run_scoped3A_5[%rem3A_433, %dma_wait3A_440, %dma_wait3A_441] : memref<2x2048x128xf32, #tpu.memory_space<vmem>> -> memref<1x2048x128xf32, #tpu.memory_space<vmem>>
          %dma_wait3A_443 = tpu.memref_squeeze %dma_wait3A_442 : memref<1x2048x128xf32, #tpu.memory_space<vmem>> -> memref<2048x128xf32, #tpu.memory_space<vmem>>
          tpu.wait_dma2 semaphore(%dma_wait3A_437 : memref<!tpu.dma_semaphore, #tpu.memory_space<semaphore_mem>>) src(%dma_wait3A_443 : memref<2048x128xf32, #tpu.memory_space<vmem>>) dst(%dma_wait3A_439 : memref<2048x128xf32, #tpu.memory_space<hbm>>)
          "tpu.trace_stop"() : () -> ()
        } else {
        }
        %and3A_401 = arith.constant true
        %and3A_402 = arith.andi %and3A_397, %and3A_401 : i1
        %add3A_403 = arith.constant 1 : i32
        %add3A_404 = arith.addi %scan3A_149, %add3A_403 : i32
        %select_n3A_405 = arith.select %and3A_402, %add3A_404, %scan3A_149 : i32
        %ne3A_406 = arith.cmpi ne, %add3A_156, %add3A_176 : i32
        %or3A_407 = arith.constant false
        %or3A_408 = arith.ori %or3A_407, %ne3A_406 : i1
        %or3A_409 = arith.constant false
        %or3A_410 = arith.ori %or3A_408, %or3A_409 : i1
        %or3A_411 = arith.ori %or3A_410, %eq3A_154 : i1
        %add3A_412 = arith.constant 1 : i32
        %add3A_413 = arith.addi %scan3A_143, %add3A_412 : i32
        %select_n3A_414 = arith.select %or3A_411, %add3A_413, %scan3A_143 : i32
        %ne3A_415 = arith.cmpi ne, %add3A_156, %add3A_176 : i32
        %or3A_416 = arith.constant false
        %or3A_417 = arith.ori %or3A_416, %ne3A_415 : i1
        %or3A_418 = arith.constant false
        %or3A_419 = arith.ori %or3A_417, %or3A_418 : i1
        %or3A_420 = arith.ori %or3A_419, %eq3A_154 : i1
        %add3A_421 = arith.constant 1 : i32
        %add3A_422 = arith.addi %scan3A_145, %add3A_421 : i32
        %select_n3A_423 = arith.select %or3A_420, %add3A_422, %scan3A_145 : i32
        %add3A_424 = arith.constant 1 : i32
        %add3A_425 = arith.addi %scan3A_150, %add3A_424 : i32
        %select_n3A_426 = arith.constant true
        %select_n3A_427 = arith.select %select_n3A_426, %add3A_425, %scan3A_150 : i32
        %eq3A_428 = arith.constant 8 : i32
        %eq3A_429 = arith.cmpi eq, %select_n3A_427, %eq3A_428 : i32
        %select_n3A_430 = arith.constant 0 : i32
        %select_n3A_431 = arith.select %eq3A_429, %select_n3A_430, %select_n3A_427 : i32
        scf.yield %select_n3A_197, %select_n3A_414, %select_n3A_215, %select_n3A_423, %select_n3A_335, %select_n3A_389, %select_n3A_349, %select_n3A_405, %select_n3A_431 : i32, i32, i32, i32, i32, i32, i32, i32, i32
      }
      %scan3A_79 = arith.constant 8 : i32
      %sub3A = arith.constant 1 : i32
      %sub3A_80 = arith.subi %scan3A_78#8, %sub3A : i32
      %select_n3A_81 = arith.constant true
      %select_n3A_82 = arith.select %select_n3A_81, %sub3A_80, %scan3A_78#8 : i32
      %eq3A_83 = arith.constant -1 : i32
      %eq3A_84 = arith.cmpi eq, %select_n3A_82, %eq3A_83 : i32
      %select_n3A_85 = arith.constant 7 : i32
      %select_n3A_86 = arith.select %eq3A_84, %select_n3A_85, %select_n3A_82 : i32
      %add3A_87 = arith.constant 0 : i32
      %add3A_88 = arith.addi %select_n3A_86, %add3A_87 : i32
      %sub3A_89 = arith.constant 1 : i32
      %sub3A_90 = arith.subi %select_n3A_86, %sub3A_89 : i32
      %select_n3A_91 = arith.constant true
      %select_n3A_92 = arith.select %select_n3A_91, %sub3A_90, %select_n3A_86 : i32
      %eq3A_93 = arith.constant -1 : i32
      %eq3A_94 = arith.cmpi eq, %select_n3A_92, %eq3A_93 : i32
      %select_n3A_95 = arith.constant 7 : i32
      %select_n3A_96 = arith.select %eq3A_94, %select_n3A_95, %select_n3A_92 : i32
      %add3A_97 = arith.constant 0 : i32
      %add3A_98 = arith.addi %select_n3A_96, %add3A_97 : i32
      %add3A_99 = arith.constant 1 : i32
      %add3A_100 = arith.addi %select_n3A_86, %add3A_99 : i32
      %select_n3A_101 = arith.constant true
      %select_n3A_102 = arith.select %select_n3A_101, %add3A_100, %select_n3A_86 : i32
      %eq3A_103 = arith.constant 8 : i32
      %eq3A_104 = arith.cmpi eq, %select_n3A_102, %eq3A_103 : i32
      %select_n3A_105 = arith.constant 0 : i32
      %select_n3A_106 = arith.select %eq3A_104, %select_n3A_105, %select_n3A_102 : i32
      %add3A_107 = arith.constant 0 : i32
      %add3A_108 = arith.addi %select_n3A_106, %add3A_107 : i32
      %add3A_109 = arith.constant 1 : i32
      %add3A_110 = arith.addi %select_n3A_106, %add3A_109 : i32
      %select_n3A_111 = arith.constant true
      %select_n3A_112 = arith.select %select_n3A_111, %add3A_110, %select_n3A_106 : i32
      %eq3A_113 = arith.constant 8 : i32
      %eq3A_114 = arith.cmpi eq, %select_n3A_112, %eq3A_113 : i32
      %select_n3A_115 = arith.constant 0 : i32
      %select_n3A_116 = arith.select %eq3A_114, %select_n3A_115, %select_n3A_112 : i32
      %add3A_117 = arith.constant 0 : i32
      %add3A_118 = arith.addi %select_n3A_116, %add3A_117 : i32
      "tpu.trace_start"() <{level = 10 : i32, message = "ep_finalize"}> : () -> ()
      %rem3A_119 = arith.constant 2 : i32
      %rem3A_120 = arith.remui %scan3A_78#5, %rem3A_119 : i32
      %mul3A = arith.constant 2048 : i32
      %mul3A_121 = arith.muli %mul3A, %add3A_88 : i32
      %mul3A_122 = arith.constant 2048 : i32
      %mul3A_123 = arith.muli %rem3A_120, %mul3A_122 : i32
      %add3A_124 = arith.constant 0 : i32
      %add3A_125 = arith.addi %mul3A_123, %add3A_124 : i32
      %dma_wait3A = tpu.memref_slice %run_scoped3A_4[%rem3A_120] : memref<2x!tpu.dma_semaphore, #tpu.memory_space<semaphore_mem>> -> memref<1x!tpu.dma_semaphore, #tpu.memory_space<semaphore_mem>>
      %dma_wait3A_126 = tpu.memref_squeeze %dma_wait3A : memref<1x!tpu.dma_semaphore, #tpu.memory_space<semaphore_mem>> -> memref<!tpu.dma_semaphore, #tpu.memory_space<semaphore_mem>>
      %dma_wait3A_127 = tpu.memref_slice %arg2[%mul3A_121] : memref<16384xf32, #tpu.memory_space<hbm>> -> memref<2048xf32, #tpu.memory_space<hbm>>
      %dma_wait3A_128 = tpu.memref_slice %run_scoped3A_3[%add3A_125] : memref<4096xf32, #tpu.memory_space<vmem>> -> memref<2048xf32, #tpu.memory_space<vmem>>
      tpu.wait_dma2 semaphore(%dma_wait3A_126 : memref<!tpu.dma_semaphore, #tpu.memory_space<semaphore_mem>>) src(%dma_wait3A_128 : memref<2048xf32, #tpu.memory_space<vmem>>) dst(%dma_wait3A_127 : memref<2048xf32, #tpu.memory_space<hbm>>)
      %rem3A_129 = arith.constant 2 : i32
      %rem3A_130 = arith.remui %scan3A_78#7, %rem3A_129 : i32
      %mul3A_131 = arith.constant 2048 : i32
      %mul3A_132 = arith.muli %mul3A_131, %add3A_88 : i32
      %dma_wait3A_133 = tpu.memref_slice %run_scoped3A_6[%rem3A_130] : memref<2x!tpu.dma_semaphore, #tpu.memory_space<semaphore_mem>> -> memref<1x!tpu.dma_semaphore, #tpu.memory_space<semaphore_mem>>
      %dma_wait3A_134 = tpu.memref_squeeze %dma_wait3A_133 : memref<1x!tpu.dma_semaphore, #tpu.memory_space<semaphore_mem>> -> memref<!tpu.dma_semaphore, #tpu.memory_space<semaphore_mem>>
      %dma_wait3A_135 = arith.constant 0 : i32
      %dma_wait3A_136 = tpu.memref_slice %arg3[%mul3A_132, %dma_wait3A_135] : memref<16384x128xf32, #tpu.memory_space<hbm>> -> memref<2048x128xf32, #tpu.memory_space<hbm>>
      %dma_wait3A_137 = arith.constant 0 : i32
      %dma_wait3A_138 = arith.constant 0 : i32
      %dma_wait3A_139 = tpu.memref_slice %run_scoped3A_5[%rem3A_130, %dma_wait3A_137, %dma_wait3A_138] : memref<2x2048x128xf32, #tpu.memory_space<vmem>> -> memref<1x2048x128xf32, #tpu.memory_space<vmem>>
      %dma_wait3A_140 = tpu.memref_squeeze %dma_wait3A_139 : memref<1x2048x128xf32, #tpu.memory_space<vmem>> -> memref<2048x128xf32, #tpu.memory_space<vmem>>
      tpu.wait_dma2 semaphore(%dma_wait3A_134 : memref<!tpu.dma_semaphore, #tpu.memory_space<semaphore_mem>>) src(%dma_wait3A_140 : memref<2048x128xf32, #tpu.memory_space<vmem>>) dst(%dma_wait3A_136 : memref<2048x128xf32, #tpu.memory_space<hbm>>)
      "tpu.trace_stop"() : () -> ()
      tpu.yield
    }) : () -> ()
    return
  }
}

</mosaic_0001>

<sc_bundles>
// kernel: kernel.4.cloned.1.call-start
scs
__scs_entry_jumppad:
0x0: {  	(pc) =	sbr.rel $0x88, $3  }
0x1: {  	(tag) =	ssettag $0x0;
	lr =	simm.s32 $0x1  }
0x2: {  	[smem:$0x3F9F] =	sst lr;
	_ =	strace $0xD0000000  }
0x3: {  	_ = 	snop  }
0x4: {  	_ = 	snop  }
0x5: {  	_ = 	snop  }
0x6: {  	_ = 	snop  }
0x7: {  	_ = 	snop  }
__scs_overlays_trampoline_lowered:
0x8: {  	[smem:$0x3FAE] =	sst s0  }
0x9: {  	[smem:$0x3FAF] =	sst s1  }
0xa: {  	[smem:$0x3FB0] =	sst s2  }
0xb: {  	[smem:$0x3FB1] =	sst s3  }
0xc: {  	[smem:$0x3FB2] =	sst s4  }
0xd: {  	[smem:$0x3FB3] =	sst s5  }
0xe: {  	[smem:$0x3FB4] =	sst s6  }
0xf: {  	[smem:$0x3FB5] =	sst s7  }
0x10: {  	[smem:$0x3FB6] =	sst s8  }
0x11: {  	[smem:$0x3FB7] =	sst s9;
	s0 =	simm.s32 @!p0 $0x0  }
0x12: {  	s1 =	sld [smem:$0x3F9D];
	s0 =	simm.s32 @p0 $0x1  }
0x13: {  	[smem:$0x3FB8] =	sst s0;
	s0 =	simm.s32 @!p1 $0x0  }
0x14: {  	s2 =	sld [smem:$0x3F9C];
	s0 =	simm.s32 @p1 $0x1  }
0x15: {  	[smem:$0x3FB9] =	sst s0;
	s0 =	simm.s32 @!p2 $0x0  }
0x16: {  	s3 =	sld [smem:$0x3FDB];
	s0 =	simm.s32 @p2 $0x1  }
0x17: {  	s4 =	simm.s32 $0x1BF5;
	[smem:$0x3FBB] =	sst s0  }
0x18: {  	s0 =	sld [smem:$0x3F9E];
	_ =	swait.ge [sflag:s4], $0x0  }
0x19: {  	s7 =	sld [smem:$0x3F9F]  }
0x1a: {  	s8 =	sadd.s32 $0xFFFFE003, lr  }
0x1b: {  	s9 =	sadd.s32 $0xFFFFFEF7, lr;
	s5 =	simm.s32 $0xFFFFFFFF;
	p2 =	slt.u32 s8, $0xFFFFF086  }
0x1c: {  	p1 =	slt.u32 s9, $0xF7A;
	s5 =	simm.s32 @!p2 $0x0  }
0x1d: {  	s5 =	simm.s32 @p1 $0x1;
	p0 =	seq.s32 s7, s2  }
0x1e: {  	s7 =	smul.u32 @!p0 $0xF7A, s2;
	p2 =	seq.s32 @!p0 s5, $0x0  }
0x1f: {  	s9 =	smul.u32 $0xF7A, s1;
	s8 =	simm.s32 @!p0 $0x1BF5;
	p2 =	por !p2, p0  }
0x20: {  	[sflag:s8] =	ssyncset.s32 @!p0 $0xFFFFF086;
	s6 =	sadd.s32 @!p0 s3, s7;
	s7 =	simm.s32 @!p0 $0x108  }
0x21: {  	s3 =	sadd.s32 s3, s9;
	s6 =	sadd.s32 @!p0 $0x88, s6;
	s7 =	simm.s32 @p2 $0x1082  }
0x22: {  	[simem:s7], [sflag:s8] =	dma.local @!p0 [hbm:s6], $0xF7A  }
0x23: {  	s9 =	sor.u32 $0xD0000000, s2;
	s6 =	simm.s32 $0x108;
	_ =	swait.ge @!p0 [sflag:s8], $0x0  }
0x24: {  	s3 =	sadd.s32 $0x88, s3;
	s6 =	simm.s32 @!p1 $0x1082;
	[sflag:s4] =	ssyncset.s32 $0xFFFFF086  }
0x25: {  	[simem:s6], [sflag:s4] =	dma.local [hbm:s3], $0xF7A  }
0x26: {  	[smem:$0x3F9F] =	sst s1;
	(tag) =	ssettag s2;
	_ =	strace s9  }
0x27: {  	s1 =	sld [smem:$0x3FAF]  }
0x28: {  	s2 =	sld [smem:$0x3FB0]  }
0x29: {  	s4 =	sld [smem:$0x3FB2]  }
0x2a: {  	p0 =	seq.s32 s5, $0x0;
	s5 =	sld [smem:$0x3FB3]  }
0x2b: {  	s6 =	sld [smem:$0x3FB4]  }
0x2c: {  	s7 =	sld [smem:$0x3FB5]  }
0x2d: {  	s3 =	simm.s32 $0x108;
	s8 =	sld [smem:$0x3FB6]  }
0x2e: {  	s3 =	simm.s32 @!p0 $0x1082;
	s9 =	sld [smem:$0x3FB7]  }
0x2f: {  	lr =	sadd.s32 s0, s3;
	s0 =	sld [smem:$0x3FAE]  }
0x30: {  	s3 =	sld [smem:$0x3FB1]  }
0x31: {  	[smem:$0x3FBA] =	sst s10  }
0x32: {  	s10 =	sld [smem:$0x3FB8];
	_ =	sdelay $0x3  }
0x33: {  	p0 =	seq.s32 s10, $0x1;
	s10 =	sld [smem:$0x3FBA];
	_ =	sdelay $0x3  }
0x34: {  	[smem:$0x3FBA] =	sst s10  }
0x35: {  	s10 =	sld [smem:$0x3FB9];
	_ =	sdelay $0x3  }
0x36: {  	p1 =	seq.s32 s10, $0x1;
	s10 =	sld [smem:$0x3FBA];
	_ =	sdelay $0x3  }
0x37: {  	[smem:$0x3FBA] =	sst s10  }
0x38: {  	s10 =	sld [smem:$0x3FBB]  }
0x39: {  	_ = 	snop;
	(pc) =	sbr.ind lr, $3  }
0x3a: {  	_ = 	snop  }
0x3b: {  	_ = 	snop  }
0x3c: {  	p2 =	seq.s32 s10, $0x1;
	s10 =	sld [smem:$0x3FBA]  }
0x3d: {  	_ =	shalt  }
0x3e: {  	_ =	shalt  }
0x3f: {  	_ =	shalt  }
0x40: {  	_ =	shalt  }
0x41: {  	_ =	shalt  }
0x42: {  	_ =	shalt  }
0x43: {  	_ =	shalt  }
0x44: {  	_ =	shalt  }
0x45: {  	_ =	shalt  }
0x46: {  	_ =	shalt  }
0x47: {  	_ =	shalt  }
0x48: {  	_ =	shalt  }
0x49: {  	_ =	shalt  }
0x4a: {  	_ =	shalt  }
0x4b: {  	_ =	shalt  }
0x4c: {  	_ =	shalt  }
0x4d: {  	_ =	shalt  }
0x4e: {  	_ =	shalt  }
0x4f: {  	_ =	shalt  }
0x50: {  	_ =	shalt  }
0x51: {  	_ =	shalt  }
0x52: {  	_ =	shalt  }
0x53: {  	_ =	shalt  }
0x54: {  	_ =	shalt  }
0x55: {  	_ =	shalt  }
0x56: {  	_ =	shalt  }
0x57: {  	_ =	shalt  }
0x58: {  	_ =	shalt  }
0x59: {  	_ =	shalt  }
0x5a: {  	_ =	shalt  }
0x5b: {  	_ =	shalt  }
0x5c: {  	_ =	shalt  }
0x5d: {  	_ =	shalt  }
0x5e: {  	_ =	shalt  }
0x5f: {  	_ =	shalt  }
0x60: {  	_ =	shalt  }
0x61: {  	_ =	shalt  }
0x62: {  	_ =	shalt  }
0x63: {  	_ =	shalt  }
0x64: {  	_ =	shalt  }
0x65: {  	_ =	shalt  }
0x66: {  	_ =	shalt  }
0x67: {  	_ =	shalt  }
0x68: {  	_ =	shalt  }
0x69: {  	_ =	shalt  }
0x6a: {  	_ =	shalt  }
0x6b: {  	_ =	shalt  }
0x6c: {  	_ =	shalt  }
0x6d: {  	_ =	shalt  }
0x6e: {  	_ =	shalt  }
0x6f: {  	_ =	shalt  }
0x70: {  	_ =	shalt  }
0x71: {  	_ =	shalt  }
0x72: {  	_ =	shalt  }
0x73: {  	_ =	shalt  }
0x74: {  	_ =	shalt  }
0x75: {  	_ =	shalt  }
0x76: {  	_ =	shalt  }
0x77: {  	_ =	shalt  }
0x78: {  	_ =	shalt  }
0x79: {  	_ =	shalt  }
0x7a: {  	_ =	shalt  }
0x7b: {  	_ =	shalt  }
0x7c: {  	_ =	shalt  }
0x7d: {  	_ =	shalt  }
0x7e: {  	_ =	shalt  }
0x7f: {  	_ =	shalt  }
0x80: {  	_ =	shalt  }
0x81: {  	_ =	shalt  }
0x82: {  	_ =	shalt  }
0x83: {  	_ =	shalt  }
0x84: {  	_ =	shalt  }
0x85: {  	_ =	shalt  }
0x86: {  	_ =	shalt  }
0x87: {  	_ =	shalt  }
.Lfunc_end0:
.L_simem_size_0:
called_computation_lowered:
.L_overlay_start_0:
0x88: {  	s2 =	sld [smem:$0x3FD9]  }
0x89: {  	s3 =	sld [smem:$0x3FFE];
	_ =	sdelay $0x1  }
0x8a: {  	s1 =	srdreg.scid  }
0x8b: {  	s0 =	sand.u32 $0x1, s1  }
0x8c: {  	s15 =	sshll.u32 s0, $0xA;
	s2 =	sadd.s32 s3, s2  }
0x8d: {  	s2 =	sadd.s32 s2, s15  }
0x8e: {  	[smem:$0x3FC6] =	sst s2  }
0x8f: {  	_ = 	snop  }
0x90: {  	s2 =	sld [smem:$0x3FD0];
	_ =	sdelay $0x2  }
0x91: {  	s4 =	simm.s32 $0xA;
	s5 =	simm.s32 $0x10;
	s16 =	sld [smem:$0x3FC8]  }
0x92: {  	[smem:s5], [sflag:s4] =	dma.local [hbm:s2], $0x1  }
0x93: {  	_ =	swait.eq [sflag:s4], $0x1  }
0x94: {  	[sflag:s4] =	ssyncset.done $0x0  }
0x95: {  	[sflag:s4] =	ssyncadd.s32 $0xFFFFFFFF  }
0x96: {  	s17 =	sld [smem:$0x12];
	(tm) =	ssettm $0x1  }
0x97: {  	s18 =	sld [smem:$0x3FFB];
	_ =	sdelay $0x3  }
0x98: {  	_ =	strace s18  }
0x99: {  	s4 =	sld [smem:$0x3FFC];
	_ =	sdelay $0x3  }
0x9a: {  	_ =	strace s4  }
0x9b: {  	s4 =	sld [smem:$0x3FFD];
	_ =	sdelay $0x3  }
0x9c: {  	_ =	strace s4  }
0x9d: {  	_ =	strace $0x8FFFFFFF  }
0x9e: {  	s19 =	sld [smem:$0x3FDB];
	_ =	sdelay $0x1  }
0x9f: {  	s20 =	simm.s32 $_scs_section_size  }
0xa0: {  	s6 =	simm.s32 $_size__tile_overlayer_lowered;
	s7 =	simm.s32 $_tile_overlayer_lowered  }
0xa1: {  	s23 =	simm.s32 $0x1BFF;
	s22 =	sshll.u32 s7, $0x1;
	s4 =	sadd.s32 s20, s19  }
0xa2: {  	s8 =	simm.s32 $0x0;
	s21 =	sshll.u32 s6, $0x1;
	s6 =	sadd.s32 s22, s4  }
0xa3: {  	[timem:s8], [sflag:s23] =	dma.local [hbm:s6], s21  }
0xa4: {  	_ =	swait.ge [sflag:s23], s21  }
0xa5: {  	s5 =	ssub.s32 $0x0, s21;
	[sflag:s23] =	ssyncset.done $0x0  }
0xa6: {  	[sflag:s23] =	ssyncadd.s32 s5;
	_ =	sdelay $0x1  }
0xa7: {  	s24 =	simm.s32 $0x1B8B  }
0xa8: {  	_ =	swait.ge [sflag:s24], $0x1  }
0xa9: {  	[sflag:s24] =	ssyncset.done $0x0  }
0xaa: {  	s25 =	simm.s32 $0x1B8E;
	[sflag:s24] =	ssyncadd.s32 $0xFFFFFFFF  }
0xab: {  	s26 =	simm.s32 $execute0_lowered;
	[smem:$0x3FD2] =	sst s25  }
0xac: {  	s5 =	sshll.u32 s26, $0x1;
	_ =	strace $0x80000046;
	[dreg:$0x1] =	wrdreg $0xFFFFFFFF  }
0xad: {  	s28 =	simm.s32 $_size_execute0_lowered;
	s4 =	sadd.s32 s4, s5;
	[dreg:$0x0] =	wrdreg $0x0  }
0xae: {  	s5 =	sshll.u32 s28, $0x1;
	[dreg:$0x2] =	wrdreg s4  }
0xaf: {  	[dreg:$0x3] =	wrdreg s5  }
0xb0: {  	[dreg:$0x4] =	wrdreg $0xC0  }
0xb1: {  	_ =	task [dreg:s8], $0x5FFFF  }
0xb2: {  	[dreg:$0x1] =	wrdreg $0xFFFFFFFF  }
0xb3: {  	[dreg:$0x0] =	wrdreg $0x60  }
0xb4: {  	[dreg:$0x2] =	wrdreg s16  }
0xb5: {  	[dreg:$0x3] =	wrdreg s17  }
0xb6: {  	[dreg:$0x4] =	wrdreg $0x9  }
0xb7: {  	_ =	task.clear_ibuf [dreg:s8], $0x5FFFF;
	_ =	strace $0x90000046  }
0xb8: {  	s29 =	simm.s32 $0x9;
	_ =	strace $0x80000048  }
0xb9: {  	_ =	swait.ge [sflag:s29], $0x1  }
0xba: {  	[sflag:s29] =	ssyncadd.s32 $0xFFFFFFFF  }
0xbb: {  	_ =	strace $0x90000048  }
0xbc: {  	_ =	sfence  }
0xbd: {  	s30 =	sld [smem:$0x0];
	_ =	sdelay $0x2  }
0xbe: {  	s31 =	sshll.u32 s1, $0xD;
	s1 =	sshrl.u32 s1, $0x2  }
0xbf: {  	s3 =	sand.u32 $0x4000, s31;
	s1 =	sadd.s32 s1, s30  }
0xc0: {  	s0 =	sor.u32 s3, s0;
	s1 =	sshll.u32 s1, $0x11  }
0xc1: {  	s0 =	sor.u32 s1, s0  }
0xc2: {  	s0 =	sadd.s32 $0x8F2B, s0  }
0xc3: {  	[sflag:s0] =	ssyncadd.remote.s32 $0x1  }
0xc4: {  	_ =	sfence.sel $0xFFFF  }
0xc5: {  	[dreg:$0x0] =	wrdreg $0xFFFFFFFF;
	(pc) =	sbr.abs _section_cstart, $3  }
0xc6: {  	[dreg:$0x1] =	wrdreg $0xFFFFFFFF  }
0xc7: {  	_ =	task.clear_ibuf [dreg:s8], $0x2FFFF;
	_ =	strace $0x9FFFFFFF  }
0xc8: {  	(tm) =	ssettm $0x7FFFFFFF  }
0xc9: {  	_ =	shalt  }
tec
execute0_lowered:
.L_overlay_start_1:
0x0: {  	(tag) =	ssettag $0x1  }
0x1: {  	s8 =	rddreg [dreg:$0x0]  }
0x2: {  	s17 =	rddreg [dreg:$0x1];
	s2 =	srdreg.scid  }
0x3: {  	s0 =	rddreg [dreg:$0x2];
	s1 =	stileid.u32;
	s20 =	sand.u32 $0x1, s2  }
0x4: {  	s2 =	simm.s32 $0x0;
	s3 =	sshll.u32 s1, $0xE;
	s4 =	sshll.u32 s20, $0xD  }
0x5: {  	[smem:$0x7FF] =	sst s2;
	s11 =	sor.u32 s4, s3  }
0x6: {  	_ =	strace $0x80000047;
	s3 =	sadd.s32 s8, s11;
	s13 =	sor.u32 $0x800, s11  }
0x7: {  	[tilespmem:s2], [sflag:$0x1] =	stream.linear.gather [hbm4b:s3+s2], $0x4000, $0x38;
	[tilespmem:$0x10000] =	vst v63  }
0x8: {  	s5 =	simm.s32 $0x4000;
	s15 =	sor.u32 $0x1000, s11;
	s4 =	sadd.s32 s8, s13  }
0x9: {  	[tilespmem:s5], [sflag:$0x2] =	stream.linear.gather [hbm4b:s4+s2], $0x4000, $0x38;
	[tilespmem:$0x10000] =	vst v63  }
0xa: {  	s7 =	simm.s32 $0x8000;
	s18 =	sor.u32 $0x1800, s11;
	s6 =	sadd.s32 s8, s15  }
0xb: {  	[tilespmem:s7], [sflag:$0x3] =	stream.linear.gather [hbm4b:s6+s2], $0x4000, $0x38;
	[tilespmem:$0x10000] =	vst v63  }
0xc: {  	s9 =	simm.s32 $0xC000;
	s10 =	simm.s32 $0x1;
	s8 =	sadd.s32 s8, s18  }
0xd: {  	[tilespmem:s9], [sflag:$0x4] =	stream.linear.gather [hbm4b:s8+s2], $0x4000, $0x38;
	[tilespmem:$0x10000] =	vst v63  }
0xe: {  	_ =	swait.ge [sflag:s10], $0x4000  }
0xf: {  	[sflag:s10] =	ssyncset.done $0x0  }
0x10: {  	s12 =	simm.s32 $0x2;
	s11 =	sadd.s32 s17, s11;
	[sflag:s10] =	ssyncadd.s32 $0xFFFFC000  }
0x11: {  	[hbm4b:s11+s2] =	stream.linear.scatter [tilespmem:s2], [sflag:$0x5], $0x4000, $0x38;
	[tilespmem:$0x10000] =	vst v63  }
0x12: {  	_ =	swait.ge [sflag:s12], $0x4000  }
0x13: {  	[sflag:s12] =	ssyncset.done $0x0  }
0x14: {  	s14 =	simm.s32 $0x3;
	s13 =	sadd.s32 s17, s13;
	[sflag:s12] =	ssyncadd.s32 $0xFFFFC000  }
0x15: {  	[hbm4b:s13+s2] =	stream.linear.scatter [tilespmem:s5], [sflag:$0x6], $0x4000, $0x38;
	[tilespmem:$0x10000] =	vst v63  }
0x16: {  	_ =	swait.ge [sflag:s14], $0x4000  }
0x17: {  	[sflag:s14] =	ssyncset.done $0x0  }
0x18: {  	s16 =	simm.s32 $0x4;
	s15 =	sadd.s32 s17, s15;
	[sflag:s14] =	ssyncadd.s32 $0xFFFFC000  }
0x19: {  	[hbm4b:s15+s2] =	stream.linear.scatter [tilespmem:s7], [sflag:$0x7], $0x4000, $0x38;
	[tilespmem:$0x10000] =	vst v63  }
0x1a: {  	_ =	swait.ge [sflag:s16], $0x4000  }
0x1b: {  	[sflag:s16] =	ssyncset.done $0x0  }
0x1c: {  	s17 =	sadd.s32 s17, s18;
	s18 =	simm.s32 $0x5;
	[sflag:s16] =	ssyncadd.s32 $0xFFFFC000  }
0x1d: {  	[hbm4b:s17+s2] =	stream.linear.scatter [tilespmem:s9], [sflag:$0x8], $0x4000, $0x38;
	[tilespmem:$0x10000] =	vst v63  }
0x1e: {  	_ =	swait.ge [sflag:s18], $0x4000  }
0x1f: {  	s21 =	ssub.s32 $0x2, s20;
	[sflag:s18] =	ssyncset.done $0x0  }
0x20: {  	s19 =	simm.s32 $0x6;
	s22 =	sshrl.u32 s21, $0x1;
	[sflag:s18] =	ssyncadd.s32 $0xFFFFC000  }
0x21: {  	s21 =	ssub.s32 s21, s22;
	_ =	swait.ge [sflag:s19], $0x4000  }
0x22: {  	s22 =	smax.u32 s21, $0x1;
	[sflag:s19] =	ssyncset.done $0x0  }
0x23: {  	s20 =	simm.s32 $0x7;
	p0 =	sne.s32 s22, $0x1;
	[sflag:s19] =	ssyncadd.s32 $0xFFFFC000  }
.Ltmp0:
0x24: {  	_ =	swait.ge [sflag:s20], $0x4000;
	(pc) =	sbr.rel @!p0 .LBB2_2-.Ltmp0, $4  }
0x25: {  	[sflag:s20] =	ssyncset.done $0x0  }
0x26: {  	s21 =	simm.s32 $0x8;
	[sflag:s20] =	ssyncadd.s32 $0xFFFFC000  }
0x27: {  	_ =	swait.ge [sflag:s21], $0x4000  }
0x28: {  	s22 =	sadd.s32 $0xFFFFFFFF, s22;
	[sflag:s21] =	ssyncset.done $0x0  }
.LBB2_1:
0x29: {  	p0 =	sne.s32 s22, $0x1;
	s22 =	sadd.s32 $0xFFFFFFFF, s22;
	[sflag:s21] =	ssyncadd.s32 $0xFFFFC000  }
0x2a: {  	[tilespmem:s2], [sflag:$0x1] =	stream.linear.gather [hbm4b:s3+s2], $0x4000, $0x38;
	[tilespmem:$0x10000] =	vst v63  }
0x2b: {  	_ = 	snop  }
0x2c: {  	[tilespmem:s5], [sflag:$0x2] =	stream.linear.gather [hbm4b:s4+s2], $0x4000, $0x38;
	[tilespmem:$0x10000] =	vst v63  }
0x2d: {  	_ = 	snop  }
0x2e: {  	[tilespmem:s7], [sflag:$0x3] =	stream.linear.gather [hbm4b:s6+s2], $0x4000, $0x38;
	[tilespmem:$0x10000] =	vst v63  }
0x2f: {  	_ = 	snop  }
0x30: {  	[tilespmem:s9], [sflag:$0x4] =	stream.linear.gather [hbm4b:s8+s2], $0x4000, $0x38;
	[tilespmem:$0x10000] =	vst v63  }
0x31: {  	_ =	swait.ge [sflag:s10], $0x4000  }
0x32: {  	[sflag:s10] =	ssyncset.done $0x0  }
0x33: {  	[sflag:s10] =	ssyncadd.s32 $0xFFFFC000  }
0x34: {  	[hbm4b:s11+s2] =	stream.linear.scatter [tilespmem:s2], [sflag:$0x5], $0x4000, $0x38;
	[tilespmem:$0x10000] =	vst v63  }
0x35: {  	_ =	swait.ge [sflag:s12], $0x4000  }
0x36: {  	[sflag:s12] =	ssyncset.done $0x0  }
0x37: {  	[sflag:s12] =	ssyncadd.s32 $0xFFFFC000  }
0x38: {  	[hbm4b:s13+s2] =	stream.linear.scatter [tilespmem:s5], [sflag:$0x6], $0x4000, $0x38;
	[tilespmem:$0x10000] =	vst v63  }
0x39: {  	_ =	swait.ge [sflag:s14], $0x4000  }
0x3a: {  	[sflag:s14] =	ssyncset.done $0x0  }
0x3b: {  	[sflag:s14] =	ssyncadd.s32 $0xFFFFC000  }
0x3c: {  	[hbm4b:s15+s2] =	stream.linear.scatter [tilespmem:s7], [sflag:$0x7], $0x4000, $0x38;
	[tilespmem:$0x10000] =	vst v63  }
0x3d: {  	_ =	swait.ge [sflag:s16], $0x4000  }
0x3e: {  	[sflag:s16] =	ssyncset.done $0x0  }
0x3f: {  	[sflag:s16] =	ssyncadd.s32 $0xFFFFC000  }
0x40: {  	[hbm4b:s17+s2] =	stream.linear.scatter [tilespmem:s9], [sflag:$0x8], $0x4000, $0x38;
	[tilespmem:$0x10000] =	vst v63  }
0x41: {  	_ =	swait.ge [sflag:s18], $0x4000  }
0x42: {  	[sflag:s18] =	ssyncset.done $0x0  }
0x43: {  	[sflag:s18] =	ssyncadd.s32 $0xFFFFC000  }
0x44: {  	_ =	swait.ge [sflag:s19], $0x4000  }
0x45: {  	[sflag:s19] =	ssyncset.done $0x0  }
0x46: {  	[sflag:s19] =	ssyncadd.s32 $0xFFFFC000  }
.Ltmp1:
0x47: {  	_ =	swait.ge [sflag:s20], $0x4000;
	(pc) =	sbr.rel @p0 .LBB2_1-.Ltmp1, $4  }
0x48: {  	[sflag:s20] =	ssyncset.done $0x0  }
0x49: {  	[sflag:s20] =	ssyncadd.s32 $0xFFFFC000  }
0x4a: {  	_ =	swait.ge [sflag:s21], $0x4000  }
0x4b: {  	[sflag:s21] =	ssyncset.done $0x0  }
.LBB2_2:
0x4c: {  	[sflag:s21] =	ssyncadd.s32 $0xFFFFC000  }
0x4d: {  	_ =	sfence.sel $0x180000  }
0x4e: {  	[bflag:$0x0] =	sbarrier.arrive $0xFFFF  }
0x4f: {  	p0 =	sne.s32 s1, $0x0;
	_ =	strace $0x90000047  }
0x50: {  	s0 =	sadd.s32 @!p0 $0x100000, s0;
	[bflag:$0x2] =	sbarrier.arrive $0xFFFF  }
0x51: {  	[sflag:s0] =	ssyncadd.tile.s32 @!p0 $0x1;
	_ =	shalt  }
.Lfunc_end2:
_tile_overlayer_lowered:
.L_overlay_start_2:
0x52: {  	(tag) =	ssettag $0x2  }
0x53: {  	s0 =	rddreg [dreg:$0x0];
	s2 =	stileid.u32  }
0x54: {  	s1 =	rddreg [dreg:$0x1];
	p0 =	sne.s32 s2, $0x0  }
0x55: {  	s3 =	rddreg [dreg:$0x2];
	[bflag:$0x3] =	sbarrier.arrive $0xFFFF;
	s2 =	simm.s32 @!p0 $0x1C09  }
0x56: {  	[timem:s3], [sflag:s2] =	dma.local @!p0 [hbm:s0], s1  }
0x57: {  	s0 =	simm.s32 @!p0 $0x9  }
0x58: {  	_ =	swait.ge @!p0 [sflag:s0], s1  }
0x59: {  	s1 =	ssub.s32 @!p0 $0x0, s1;
	[sflag:s0] =	ssyncset.done @!p0 $0x0  }
0x5a: {  	[sflag:s0] =	ssyncadd.s32 @!p0 s1  }
0x5b: {  	[bflag:$0x3] =	sbarrier.arrive $0xFFFF  }
0x5c: {  	_ =	shalt  }

</sc_bundles>
